<compile_context>
chip_gen: v7x
topology: tpu7x:2x2x1
jax: 0.10.2.dev20260603
libtpu: 0.0.44.dev20260713+nightly
codegen_flags: <defaults>
</compile_context>

<pallas_src>
import functools

import jax
import jax.numpy as jnp
from jax import lax
from jax.experimental import pallas as pl
from jax.experimental.pallas import tpu as pltpu
from jax.experimental.pallas import tpu_sc as plsc

N = 10000
E = 320000
D = 128
NLOG = 10240
NSC = NLOG // 2
ZROW = N + 16
DUMP_LOG = N + 100
NC, NS = 2, 16
CHUNK = 128
CPW = 160
EPW = CPW * CHUNK
EPAD = NS * EPW
RPT = NSC // NS
FIRE = 2
RB = 1280
GRID = NLOG // RB

_mesh = plsc.VectorSubcoreMesh(
    core_axis_name="c", subcore_axis_name="s", num_cores=NC, num_subcores=NS)


@functools.partial(
    pl.kernel,
    out_type=jax.ShapeDtypeStruct((NC, NSC, D), jnp.float32),
    mesh=_mesh,
    scratch_types=[
        pltpu.VMEM((CPW, CHUNK), jnp.int32),
        pltpu.VMEM((CPW, CHUNK), jnp.int32),
        pltpu.VMEM((FIRE, CHUNK, D), jnp.float32),
        pltpu.VMEM_SHARED((NSC, D), jnp.float32),
        pltpu.SemaphoreType.DMA,
        pltpu.SemaphoreType.DMA,
    ],
)
def _segsum_kernel(g_hbm, src_hbm, dst_hbm, zeros_hbm, out_hbm,
                   sidx_v, didx_v, rows_v, acc, gsem, ssem):
    c = lax.axis_index("c")
    s = lax.axis_index("s")
    stripe = pl.ds(s * RPT, RPT)
    pltpu.sync_copy(zeros_hbm.at[stripe], acc.at[stripe])
    pltpu.sync_copy(src_hbm.at[s], sidx_v)
    pltpu.sync_copy(dst_hbm.at[s], didx_v)
    lo = c * NSC

    def rbody(i, carry):
        for k in range(CHUNK // 16):
            sl = (i, pl.ds(k * 16, 16))
            v = didx_v[sl]
            inr = (v >= lo) & (v < lo + NSC)
            didx_v[sl] = jnp.where(inr, v - lo, 0)
            sv = sidx_v[sl]
            sidx_v[sl] = jnp.where(inr, sv, ZROW)
        return carry

    lax.fori_loop(0, CPW, rbody, 0)
    plsc.subcore_barrier()

    def body(j, carry):
        gcps = []
        for k in range(FIRE):
            i = j * FIRE + k
            gcps.append(pltpu.async_copy(
                g_hbm.at[sidx_v.at[i]], rows_v.at[k], gsem))
        for cp in gcps:
            cp.wait()
        return carry

    lax.fori_loop(0, CPW // FIRE, body, 0)
    plsc.subcore_barrier()
    pltpu.sync_copy(acc.at[stripe], out_hbm.at[c, stripe])


def _step_body(first_ref, s_ref, g_ref, dis_ref, x_ref, b_ref, w_ref,
               gn_ref, dis_out_ref, h_ref):
    i = pl.program_id(0)
    first = first_ref[...] > 0.0
    sp = s_ref[...][0]
    dis_new = lax.rsqrt(sp + 1.0)
    dis = jnp.where(first, dis_new, dis_ref[...])
    rowid = lax.broadcasted_iota(jnp.int32, (RB, 1), 0) + i * RB
    t = jnp.maximum(dis * (sp + g_ref[...]) + b_ref[...], 0.0)
    t = jnp.where(rowid < N, t, 0.0)
    m = jnp.where(first, x_ref[...], dis * t)
    gn = jnp.dot(m, w_ref[...], preferred_element_type=jnp.float32)
    gn_ref[...] = jnp.where(first, gn * dis, gn)
    dis_out_ref[...] = dis
    h_ref[...] = t


def _tc_step(firstb, sp, g, dis, xp, b, w):
    return pl.pallas_call(
        _step_body,
        grid=(GRID,),
        in_specs=[
            pl.BlockSpec((1, D), lambda i: (0, 0)),
            pl.BlockSpec((1, RB, D), lambda i: (i // 4, i % 4, 0)),
            pl.BlockSpec((RB, D), lambda i: (i, 0)),
            pl.BlockSpec((RB, D), lambda i: (i, 0)),
            pl.BlockSpec((RB, D), lambda i: (i, 0)),
            pl.BlockSpec((1, D), lambda i: (0, 0)),
            pl.BlockSpec((D, D), lambda i: (0, 0)),
        ],
        out_specs=[
            pl.BlockSpec((RB, D), lambda i: (i, 0)),
            pl.BlockSpec((RB, D), lambda i: (i, 0)),
            pl.BlockSpec((RB, D), lambda i: (i, 0)),
        ],
        out_shape=[
            jax.ShapeDtypeStruct((NLOG, D), jnp.float32),
            jax.ShapeDtypeStruct((NLOG, D), jnp.float32),
            jax.ShapeDtypeStruct((NLOG, D), jnp.float32),
        ],
    )(firstb, sp, g, dis, xp, b, w)


def _ke_body(h_ref, batch_ref, wfc_ref, bfc_ref, wfc2_ref, bfc2_ref, out_ref):
    h = h_ref[...][:N]
    gids = lax.broadcasted_iota(jnp.int32, (64, N), 0)
    onehot = (gids == batch_ref[...]).astype(jnp.float32)
    sums = jnp.dot(onehot, h, preferred_element_type=jnp.float32)
    counts = jnp.sum(onehot, axis=1, keepdims=True)
    pooled = sums / jnp.maximum(counts, 1.0)
    a = jnp.maximum(
        jnp.dot(pooled, wfc_ref[...], preferred_element_type=jnp.float32)
        + bfc_ref[...], 0.0)
    out_ref[...] = jnp.dot(a, wfc2_ref[...],
                           preferred_element_type=jnp.float32) + bfc2_ref[...]


def _tc_head(h, batch2d, wfc, bfc, wfc2p, bfc2p):
    return pl.pallas_call(
        _ke_body,
        out_shape=jax.ShapeDtypeStruct((64, D), jnp.float32),
    )(h, batch2d, wfc, bfc, wfc2p, bfc2p)


def kernel(x, edge_index, batch, W1, b1, W2, b2, W3, b3, Wfc, bfc, Wfc2, bfc2):
    src = edge_index[0].astype(jnp.int32)
    dst = edge_index[1].astype(jnp.int32)
    npad = EPAD - E
    srcp = jnp.concatenate([src, jnp.full((npad,), ZROW, jnp.int32)])
    dstp = jnp.concatenate([dst, jnp.full((npad,), DUMP_LOG, jnp.int32)])
    srcp = srcp.reshape(NS, CPW, CHUNK)
    dstp = dstp.reshape(NS, CPW, CHUNK)

    zerosS = jnp.zeros((NSC, D), jnp.float32)
    xp = jnp.pad(x.astype(jnp.float32), ((0, NLOG - N), (0, 0)))
    g0 = jnp.pad(jnp.ones((N, D), jnp.float32), ((0, NLOG - N), (0, 0)))

    ws = jnp.stack([W1, W2, W3, jnp.eye(D, dtype=jnp.float32)])
    zb = jnp.zeros((1, D), jnp.float32)
    bs = jnp.stack([zb, b1.reshape(1, D), b2.reshape(1, D), b3.reshape(1, D)])
    firsts = jnp.concatenate(
        [jnp.ones((1, 1, D), jnp.float32), jnp.zeros((3, 1, D), jnp.float32)])

    def step(carry, wbf):
        g, dis = carry
        w, b, firstb = wbf
        sp = _segsum_kernel(g, srcp, dstp, zerosS)
        g_next, dis_out, h = _tc_step(firstb, sp, g, dis, xp, b, w)
        return (g_next, dis_out), h

    (_, _), hs = lax.scan(step, (g0, jnp.ones((NLOG, D), jnp.float32)),
                          (ws, bs, firsts))
    h3 = hs[3]

    batch2d = batch.astype(jnp.int32).reshape(1, N)
    wfc2p = jnp.zeros((256, D), jnp.float32).at[:, :26].set(Wfc2)
    bfc2p = jnp.zeros((D,), jnp.float32).at[:26].set(bfc2)
    out = _tc_head(h3, batch2d, Wfc, bfc.reshape(1, 256),
                   wfc2p, bfc2p.reshape(1, D))
    return out[:, :26]

# --- scband reference (transcript-rebuilt; emitter-appended) ---
"""Pipeline reference for scband-letter-gnn-88682484727907 (READ-ONLY COPY).

The authoritative reference and input builder live on the scoring server;
editing this copy changes nothing except your own understanding.
"""

import jax, jax.numpy as jnp
import numpy as np

N_NODES = 10000
N_EDGES = 320000
D_FEAT = 128
H_CONV = 128
H_FF = 256
N_CLASSES = 26
N_GRAPHS = 64


def setup_inputs(seed: int = 0) -> dict:
    key = jax.random.key(seed)
    ks = jax.random.split(key, 16)
    x = jax.random.normal(ks[0], (N_NODES, D_FEAT), dtype=jnp.float32)
    edge_index = jax.random.randint(ks[1], (2, N_EDGES), 0, N_NODES, dtype=jnp.int64)
    batch = jnp.sort(jax.random.randint(ks[2], (N_NODES,), 0, N_GRAPHS, dtype=jnp.int64))
    # GCNConv layers: lin weight (no bias in lin) + separate bias, PyG-style
    W1 = jax.random.normal(ks[3], (D_FEAT, H_CONV), dtype=jnp.float32) * 0.05
    b1 = jnp.zeros((H_CONV,), dtype=jnp.float32)
    W2 = jax.random.normal(ks[4], (H_CONV, H_CONV), dtype=jnp.float32) * 0.05
    b2 = jnp.zeros((H_CONV,), dtype=jnp.float32)
    W3 = jax.random.normal(ks[5], (H_CONV, H_CONV), dtype=jnp.float32) * 0.05
    b3 = jnp.zeros((H_CONV,), dtype=jnp.float32)
    Wfc = jax.random.normal(ks[6], (H_CONV, H_FF), dtype=jnp.float32) * 0.05
    bfc = jnp.zeros((H_FF,), dtype=jnp.float32)
    Wfc2 = jax.random.normal(ks[7], (H_FF, N_CLASSES), dtype=jnp.float32) * 0.05
    bfc2 = jnp.zeros((N_CLASSES,), dtype=jnp.float32)
    return {"x": x, "edge_index": edge_index, "batch": batch,
            "W1": W1, "b1": b1, "W2": W2, "b2": b2, "W3": W3, "b3": b3,
            "Wfc": Wfc, "bfc": bfc, "Wfc2": Wfc2, "bfc2": bfc2}


def _gcn_conv(x, src, dst, deg_inv_sqrt, W, b):
    # PyG GCNConv: x' = D^-1/2 (A+I) D^-1/2 (X W) + b  (self-loops included in src/dst)
    h = x @ W
    norm = deg_inv_sqrt[src] * deg_inv_sqrt[dst]
    msg = h[src] * norm[:, None]
    out = jnp.zeros_like(h).at[dst].add(msg)
    return out + b


def reference(x, edge_index, batch, W1, b1, W2, b2, W3, b3, Wfc, bfc, Wfc2, bfc2):
    n = x.shape[0]
    src = edge_index[0].astype(jnp.int32)
    dst = edge_index[1].astype(jnp.int32)
    loop = jnp.arange(n, dtype=jnp.int32)
    src = jnp.concatenate([src, loop])
    dst = jnp.concatenate([dst, loop])
    deg = jnp.zeros((n,), dtype=jnp.float32).at[dst].add(1.0)
    deg_inv_sqrt = jnp.where(deg > 0, deg ** -0.5, 0.0)
    # fc_before = Identity (use_fc_before=False)
    h = x.astype(jnp.float32)
    h = jax.nn.relu(_gcn_conv(h, src, dst, deg_inv_sqrt, W1, b1))
    h = jax.nn.relu(_gcn_conv(h, src, dst, deg_inv_sqrt, W2, b2))
    h = jax.nn.relu(_gcn_conv(h, src, dst, deg_inv_sqrt, W3, b3))
    # global_mean_pool
    seg = batch.astype(jnp.int32)
    sums = jax.ops.segment_sum(h, seg, num_segments=N_GRAPHS)
    counts = jax.ops.segment_sum(jnp.ones((n,), dtype=jnp.float32), seg, num_segments=N_GRAPHS)
    pooled = sums / jnp.clip(counts, 1.0)[:, None]
    out = jax.nn.relu(pooled @ Wfc + bfc)
    # dropout is identity in eval mode
    out = out @ Wfc2 + bfc2
    return out

if __name__ == "__main__":
    import jax
    _d = setup_inputs()
    print(jax.jit(kernel)(*tuple(_d.values())))

</pallas_src>

<mosaic_0001>
#map = affine_map<(d0, d1) -> (0, 0)>
#map1 = affine_map<(d0, d1) -> (0, 0, 0)>
module attributes {stable_mosaic.version = 14 : i64} {
  func.func @_segsum_kernel(%arg0: i32, %arg1: i32, %arg2: memref<10240x128xf32, #tpu.memory_space<hbm>>, %arg3: memref<16x160x128xi32, #tpu.memory_space<hbm>>, %arg4: memref<16x160x128xi32, #tpu.memory_space<hbm>>, %arg5: memref<5120x128xf32, #tpu.memory_space<hbm>>, %arg6: memref<2x5120x128xf32, #tpu.memory_space<hbm>>, %arg7: memref<160x128xi32, #tpu.memory_space<vmem>>, %arg8: memref<160x128xi32, #tpu.memory_space<vmem>>, %arg9: memref<2x128x128xf32, #tpu.memory_space<vmem>>, %arg10: memref<5120x128xf32, #tpu.memory_space<vmem_shared>>, %arg11: memref<!tpu.dma_semaphore, #tpu.memory_space<semaphore_mem>>, %arg12: memref<!tpu.dma_semaphore, #tpu.memory_space<semaphore_mem>>) attributes {dimension_semantics = [#tpu.dimension_semantics<core_parallel>, #tpu.dimension_semantics<subcore_parallel>], iteration_bounds = array<i64: 2, 16>, scalar_prefetch = 0 : i64, scratch_operands = 6 : i64, tpu.core_type = #tpu.core_type<sc_vector_subcore>, window_params = [{transform_indices = #map}, {transform_indices = #map1}, {transform_indices = #map1}, {transform_indices = #map}, {transform_indices = #map1}]} {
    %mul3A = arith.constant 320 : i32
    %mul3A_0 = arith.muli %arg1, %mul3A : i32
    "tpu.region"() ({
      %run_scoped3A = tpu.sem_alloc : memref<!tpu.dma_semaphore, #tpu.memory_space<semaphore_mem>>
      %dma_start3A = arith.constant 0 : i32
      %dma_start3A_15 = tpu.memref_slice %arg10[%mul3A_0, %dma_start3A] : memref<5120x128xf32, #tpu.memory_space<vmem_shared>> -> memref<320x128xf32, #tpu.memory_space<vmem_shared>>
      %dma_start3A_16 = arith.constant 0 : i32
      %dma_start3A_17 = tpu.memref_slice %arg5[%mul3A_0, %dma_start3A_16] : memref<5120x128xf32, #tpu.memory_space<hbm>> -> memref<320x128xf32, #tpu.memory_space<hbm>>
      tpu.enqueue_dma source(%dma_start3A_17 : memref<320x128xf32, #tpu.memory_space<hbm>>) target(%dma_start3A_15 : memref<320x128xf32, #tpu.memory_space<vmem_shared>>) target_semaphore(%run_scoped3A : memref<!tpu.dma_semaphore, #tpu.memory_space<semaphore_mem>>)
      %dma_wait3A = arith.constant 0 : i32
      %dma_wait3A_18 = tpu.memref_slice %arg10[%mul3A_0, %dma_wait3A] : memref<5120x128xf32, #tpu.memory_space<vmem_shared>> -> memref<320x128xf32, #tpu.memory_space<vmem_shared>>
      %dma_wait3A_19 = arith.constant 0 : i32
      %dma_wait3A_20 = tpu.memref_slice %arg5[%mul3A_0, %dma_wait3A_19] : memref<5120x128xf32, #tpu.memory_space<hbm>> -> memref<320x128xf32, #tpu.memory_space<hbm>>
      tpu.wait_dma2 semaphore(%run_scoped3A : memref<!tpu.dma_semaphore, #tpu.memory_space<semaphore_mem>>) src(%dma_wait3A_20 : memref<320x128xf32, #tpu.memory_space<hbm>>) dst(%dma_wait3A_18 : memref<320x128xf32, #tpu.memory_space<vmem_shared>>)
      tpu.yield
    }) : () -> ()
    "tpu.region"() ({
      %run_scoped3A = tpu.sem_alloc : memref<!tpu.dma_semaphore, #tpu.memory_space<semaphore_mem>>
      %dma_start3A = arith.constant 0 : i32
      %dma_start3A_15 = arith.constant 0 : i32
      %dma_start3A_16 = tpu.memref_slice %arg3[%arg1, %dma_start3A, %dma_start3A_15] : memref<16x160x128xi32, #tpu.memory_space<hbm>> -> memref<1x160x128xi32, #tpu.memory_space<hbm>>
      %dma_start3A_17 = tpu.memref_squeeze %dma_start3A_16 : memref<1x160x128xi32, #tpu.memory_space<hbm>> -> memref<160x128xi32, #tpu.memory_space<hbm>>
      %dma_start3A_18 = arith.constant 0 : i32
      %dma_start3A_19 = arith.constant 0 : i32
      %dma_start3A_20 = tpu.memref_slice %arg3[%arg1, %dma_start3A_18, %dma_start3A_19] : memref<16x160x128xi32, #tpu.memory_space<hbm>> -> memref<1x160x128xi32, #tpu.memory_space<hbm>>
      %dma_start3A_21 = tpu.memref_squeeze %dma_start3A_20 : memref<1x160x128xi32, #tpu.memory_space<hbm>> -> memref<160x128xi32, #tpu.memory_space<hbm>>
      tpu.enqueue_dma source(%dma_start3A_21 : memref<160x128xi32, #tpu.memory_space<hbm>>) target(%arg7 : memref<160x128xi32, #tpu.memory_space<vmem>>) target_semaphore(%run_scoped3A : memref<!tpu.dma_semaphore, #tpu.memory_space<semaphore_mem>>)
      %dma_wait3A = arith.constant 0 : i32
      %dma_wait3A_22 = arith.constant 0 : i32
      %dma_wait3A_23 = tpu.memref_slice %arg3[%arg1, %dma_wait3A, %dma_wait3A_22] : memref<16x160x128xi32, #tpu.memory_space<hbm>> -> memref<1x160x128xi32, #tpu.memory_space<hbm>>
      %dma_wait3A_24 = tpu.memref_squeeze %dma_wait3A_23 : memref<1x160x128xi32, #tpu.memory_space<hbm>> -> memref<160x128xi32, #tpu.memory_space<hbm>>
      %dma_wait3A_25 = arith.constant 0 : i32
      %dma_wait3A_26 = arith.constant 0 : i32
      %dma_wait3A_27 = tpu.memref_slice %arg3[%arg1, %dma_wait3A_25, %dma_wait3A_26] : memref<16x160x128xi32, #tpu.memory_space<hbm>> -> memref<1x160x128xi32, #tpu.memory_space<hbm>>
      %dma_wait3A_28 = tpu.memref_squeeze %dma_wait3A_27 : memref<1x160x128xi32, #tpu.memory_space<hbm>> -> memref<160x128xi32, #tpu.memory_space<hbm>>
      tpu.wait_dma2 semaphore(%run_scoped3A : memref<!tpu.dma_semaphore, #tpu.memory_space<semaphore_mem>>) src(%dma_wait3A_28 : memref<160x128xi32, #tpu.memory_space<hbm>>) dst(%arg7 : memref<160x128xi32, #tpu.memory_space<vmem>>)
      tpu.yield
    }) : () -> ()
    "tpu.region"() ({
      %run_scoped3A = tpu.sem_alloc : memref<!tpu.dma_semaphore, #tpu.memory_space<semaphore_mem>>
      %dma_start3A = arith.constant 0 : i32
      %dma_start3A_15 = arith.constant 0 : i32
      %dma_start3A_16 = tpu.memref_slice %arg4[%arg1, %dma_start3A, %dma_start3A_15] : memref<16x160x128xi32, #tpu.memory_space<hbm>> -> memref<1x160x128xi32, #tpu.memory_space<hbm>>
      %dma_start3A_17 = tpu.memref_squeeze %dma_start3A_16 : memref<1x160x128xi32, #tpu.memory_space<hbm>> -> memref<160x128xi32, #tpu.memory_space<hbm>>
      %dma_start3A_18 = arith.constant 0 : i32
      %dma_start3A_19 = arith.constant 0 : i32
      %dma_start3A_20 = tpu.memref_slice %arg4[%arg1, %dma_start3A_18, %dma_start3A_19] : memref<16x160x128xi32, #tpu.memory_space<hbm>> -> memref<1x160x128xi32, #tpu.memory_space<hbm>>
      %dma_start3A_21 = tpu.memref_squeeze %dma_start3A_20 : memref<1x160x128xi32, #tpu.memory_space<hbm>> -> memref<160x128xi32, #tpu.memory_space<hbm>>
      tpu.enqueue_dma source(%dma_start3A_21 : memref<160x128xi32, #tpu.memory_space<hbm>>) target(%arg8 : memref<160x128xi32, #tpu.memory_space<vmem>>) target_semaphore(%run_scoped3A : memref<!tpu.dma_semaphore, #tpu.memory_space<semaphore_mem>>)
      %dma_wait3A = arith.constant 0 : i32
      %dma_wait3A_22 = arith.constant 0 : i32
      %dma_wait3A_23 = tpu.memref_slice %arg4[%arg1, %dma_wait3A, %dma_wait3A_22] : memref<16x160x128xi32, #tpu.memory_space<hbm>> -> memref<1x160x128xi32, #tpu.memory_space<hbm>>
      %dma_wait3A_24 = tpu.memref_squeeze %dma_wait3A_23 : memref<1x160x128xi32, #tpu.memory_space<hbm>> -> memref<160x128xi32, #tpu.memory_space<hbm>>
      %dma_wait3A_25 = arith.constant 0 : i32
      %dma_wait3A_26 = arith.constant 0 : i32
      %dma_wait3A_27 = tpu.memref_slice %arg4[%arg1, %dma_wait3A_25, %dma_wait3A_26] : memref<16x160x128xi32, #tpu.memory_space<hbm>> -> memref<1x160x128xi32, #tpu.memory_space<hbm>>
      %dma_wait3A_28 = tpu.memref_squeeze %dma_wait3A_27 : memref<1x160x128xi32, #tpu.memory_space<hbm>> -> memref<160x128xi32, #tpu.memory_space<hbm>>
      tpu.wait_dma2 semaphore(%run_scoped3A : memref<!tpu.dma_semaphore, #tpu.memory_space<semaphore_mem>>) src(%dma_wait3A_28 : memref<160x128xi32, #tpu.memory_space<hbm>>) dst(%arg8 : memref<160x128xi32, #tpu.memory_space<vmem>>)
      tpu.yield
    }) : () -> ()
    %mul3A_1 = arith.constant 5120 : i32
    %mul3A_2 = arith.muli %arg0, %mul3A_1 : i32
    %scan3A = arith.constant 0 : i32
    %scan3A_3 = arith.constant 0 : i32
    %scan3A_4 = arith.constant 160 : i32
    %scan3A_5 = arith.addi %scan3A_3, %scan3A_4 : i32
    %scan3A_6 = arith.constant 1 : i32
    scf.for %scan3A_15 = %scan3A_3 to %scan3A_5 step %scan3A_6  : i32 {
      %get3A = arith.index_cast %scan3A_15 : i32 to index
      %get3A_16 = arith.constant 0 : index
      %get3A_17 = tpu.vector_load %arg8[%get3A, %get3A_16] {strides = array<i32>} : memref<160x128xi32, #tpu.memory_space<vmem>>, vector<1x16xi32>,
      %get3A_18 = vector.shape_cast %get3A_17 : vector<1x16xi32> to vector<16xi32>
      %ge3A = vector.broadcast %mul3A_2 : i32 to vector<16xi32>
      %ge3A_19 = arith.cmpi sge, %get3A_18, %ge3A : vector<16xi32>
      %add3A = arith.constant 5120 : i32
      %add3A_20 = arith.addi %mul3A_2, %add3A : i32
      %lt3A = vector.broadcast %add3A_20 : i32 to vector<16xi32>
      %lt3A_21 = arith.cmpi slt, %get3A_18, %lt3A : vector<16xi32>
      %and3A = arith.andi %ge3A_19, %lt3A_21 : vector<16xi1>
      %sub3A = vector.broadcast %mul3A_2 : i32 to vector<16xi32>
      %sub3A_22 = arith.subi %get3A_18, %sub3A : vector<16xi32>
      %jit3A = arith.constant 0 : i32
      %broadcast_in_dim3A = vector.broadcast %jit3A : i32 to vector<16xi32>
      %select_n3A = arith.select %and3A, %sub3A_22, %broadcast_in_dim3A : vector<16xi1>, vector<16xi32>
      %swap3A = arith.index_cast %scan3A_15 : i32 to index
      %swap3A_23 = arith.constant 0 : index
      %swap3A_24 = tpu.vector_load %arg8[%swap3A, %swap3A_23] {strides = array<i32>} : memref<160x128xi32, #tpu.memory_space<vmem>>, vector<1x16xi32>,
      %swap3A_25 = vector.shape_cast %swap3A_24 : vector<1x16xi32> to vector<16xi32>
      %swap3A_26 = vector.shape_cast %select_n3A : vector<16xi32> to vector<1x16xi32>
      tpu.vector_store %arg8[%swap3A, %swap3A_23], %swap3A_26 {strides = array<i32>} : memref<160x128xi32, #tpu.memory_space<vmem>>, vector<1x16xi32>,
      %get3A_27 = arith.index_cast %scan3A_15 : i32 to index
      %get3A_28 = arith.constant 0 : index
      %get3A_29 = tpu.vector_load %arg7[%get3A_27, %get3A_28] {strides = array<i32>} : memref<160x128xi32, #tpu.memory_space<vmem>>, vector<1x16xi32>,
      %get3A_30 = vector.shape_cast %get3A_29 : vector<1x16xi32> to vector<16xi32>
      %jit3A_31 = arith.constant 10016 : i32
      %broadcast_in_dim3A_32 = vector.broadcast %jit3A_31 : i32 to vector<16xi32>
      %select_n3A_33 = arith.select %and3A, %get3A_30, %broadcast_in_dim3A_32 : vector<16xi1>, vector<16xi32>
      %swap3A_34 = arith.index_cast %scan3A_15 : i32 to index
      %swap3A_35 = arith.constant 0 : index
      %swap3A_36 = tpu.vector_load %arg7[%swap3A_34, %swap3A_35] {strides = array<i32>} : memref<160x128xi32, #tpu.memory_space<vmem>>, vector<1x16xi32>,
      %swap3A_37 = vector.shape_cast %swap3A_36 : vector<1x16xi32> to vector<16xi32>
      %swap3A_38 = vector.shape_cast %select_n3A_33 : vector<16xi32> to vector<1x16xi32>
      tpu.vector_store %arg7[%swap3A_34, %swap3A_35], %swap3A_38 {strides = array<i32>} : memref<160x128xi32, #tpu.memory_space<vmem>>, vector<1x16xi32>,
      %get3A_39 = arith.index_cast %scan3A_15 : i32 to index
      %get3A_40 = arith.constant 16 : index
      %get3A_41 = tpu.vector_load %arg8[%get3A_39, %get3A_40] {strides = array<i32>} : memref<160x128xi32, #tpu.memory_space<vmem>>, vector<1x16xi32>,
      %get3A_42 = vector.shape_cast %get3A_41 : vector<1x16xi32> to vector<16xi32>
      %ge3A_43 = vector.broadcast %mul3A_2 : i32 to vector<16xi32>
      %ge3A_44 = arith.cmpi sge, %get3A_42, %ge3A_43 : vector<16xi32>
      %add3A_45 = arith.constant 5120 : i32
      %add3A_46 = arith.addi %mul3A_2, %add3A_45 : i32
      %lt3A_47 = vector.broadcast %add3A_46 : i32 to vector<16xi32>
      %lt3A_48 = arith.cmpi slt, %get3A_42, %lt3A_47 : vector<16xi32>
      %and3A_49 = arith.andi %ge3A_44, %lt3A_48 : vector<16xi1>
      %sub3A_50 = vector.broadcast %mul3A_2 : i32 to vector<16xi32>
      %sub3A_51 = arith.subi %get3A_42, %sub3A_50 : vector<16xi32>
      %jit3A_52 = arith.constant 0 : i32
      %broadcast_in_dim3A_53 = vector.broadcast %jit3A_52 : i32 to vector<16xi32>
      %select_n3A_54 = arith.select %and3A_49, %sub3A_51, %broadcast_in_dim3A_53 : vector<16xi1>, vector<16xi32>
      %swap3A_55 = arith.index_cast %scan3A_15 : i32 to index
      %swap3A_56 = arith.constant 16 : index
      %swap3A_57 = tpu.vector_load %arg8[%swap3A_55, %swap3A_56] {strides = array<i32>} : memref<160x128xi32, #tpu.memory_space<vmem>>, vector<1x16xi32>,
      %swap3A_58 = vector.shape_cast %swap3A_57 : vector<1x16xi32> to vector<16xi32>
      %swap3A_59 = vector.shape_cast %select_n3A_54 : vector<16xi32> to vector<1x16xi32>
      tpu.vector_store %arg8[%swap3A_55, %swap3A_56], %swap3A_59 {strides = array<i32>} : memref<160x128xi32, #tpu.memory_space<vmem>>, vector<1x16xi32>,
      %get3A_60 = arith.index_cast %scan3A_15 : i32 to index
      %get3A_61 = arith.constant 16 : index
      %get3A_62 = tpu.vector_load %arg7[%get3A_60, %get3A_61] {strides = array<i32>} : memref<160x128xi32, #tpu.memory_space<vmem>>, vector<1x16xi32>,
      %get3A_63 = vector.shape_cast %get3A_62 : vector<1x16xi32> to vector<16xi32>
      %jit3A_64 = arith.constant 10016 : i32
      %broadcast_in_dim3A_65 = vector.broadcast %jit3A_64 : i32 to vector<16xi32>
      %select_n3A_66 = arith.select %and3A_49, %get3A_63, %broadcast_in_dim3A_65 : vector<16xi1>, vector<16xi32>
      %swap3A_67 = arith.index_cast %scan3A_15 : i32 to index
      %swap3A_68 = arith.constant 16 : index
      %swap3A_69 = tpu.vector_load %arg7[%swap3A_67, %swap3A_68] {strides = array<i32>} : memref<160x128xi32, #tpu.memory_space<vmem>>, vector<1x16xi32>,
      %swap3A_70 = vector.shape_cast %swap3A_69 : vector<1x16xi32> to vector<16xi32>
      %swap3A_71 = vector.shape_cast %select_n3A_66 : vector<16xi32> to vector<1x16xi32>
      tpu.vector_store %arg7[%swap3A_67, %swap3A_68], %swap3A_71 {strides = array<i32>} : memref<160x128xi32, #tpu.memory_space<vmem>>, vector<1x16xi32>,
      %get3A_72 = arith.index_cast %scan3A_15 : i32 to index
      %get3A_73 = arith.constant 32 : index
      %get3A_74 = tpu.vector_load %arg8[%get3A_72, %get3A_73] {strides = array<i32>} : memref<160x128xi32, #tpu.memory_space<vmem>>, vector<1x16xi32>,
      %get3A_75 = vector.shape_cast %get3A_74 : vector<1x16xi32> to vector<16xi32>
      %ge3A_76 = vector.broadcast %mul3A_2 : i32 to vector<16xi32>
      %ge3A_77 = arith.cmpi sge, %get3A_75, %ge3A_76 : vector<16xi32>
      %add3A_78 = arith.constant 5120 : i32
      %add3A_79 = arith.addi %mul3A_2, %add3A_78 : i32
      %lt3A_80 = vector.broadcast %add3A_79 : i32 to vector<16xi32>
      %lt3A_81 = arith.cmpi slt, %get3A_75, %lt3A_80 : vector<16xi32>
      %and3A_82 = arith.andi %ge3A_77, %lt3A_81 : vector<16xi1>
      %sub3A_83 = vector.broadcast %mul3A_2 : i32 to vector<16xi32>
      %sub3A_84 = arith.subi %get3A_75, %sub3A_83 : vector<16xi32>
      %jit3A_85 = arith.constant 0 : i32
      %broadcast_in_dim3A_86 = vector.broadcast %jit3A_85 : i32 to vector<16xi32>
      %select_n3A_87 = arith.select %and3A_82, %sub3A_84, %broadcast_in_dim3A_86 : vector<16xi1>, vector<16xi32>
      %swap3A_88 = arith.index_cast %scan3A_15 : i32 to index
      %swap3A_89 = arith.constant 32 : index
      %swap3A_90 = tpu.vector_load %arg8[%swap3A_88, %swap3A_89] {strides = array<i32>} : memref<160x128xi32, #tpu.memory_space<vmem>>, vector<1x16xi32>,
      %swap3A_91 = vector.shape_cast %swap3A_90 : vector<1x16xi32> to vector<16xi32>
      %swap3A_92 = vector.shape_cast %select_n3A_87 : vector<16xi32> to vector<1x16xi32>
      tpu.vector_store %arg8[%swap3A_88, %swap3A_89], %swap3A_92 {strides = array<i32>} : memref<160x128xi32, #tpu.memory_space<vmem>>, vector<1x16xi32>,
      %get3A_93 = arith.index_cast %scan3A_15 : i32 to index
      %get3A_94 = arith.constant 32 : index
      %get3A_95 = tpu.vector_load %arg7[%get3A_93, %get3A_94] {strides = array<i32>} : memref<160x128xi32, #tpu.memory_space<vmem>>, vector<1x16xi32>,
      %get3A_96 = vector.shape_cast %get3A_95 : vector<1x16xi32> to vector<16xi32>
      %jit3A_97 = arith.constant 10016 : i32
      %broadcast_in_dim3A_98 = vector.broadcast %jit3A_97 : i32 to vector<16xi32>
      %select_n3A_99 = arith.select %and3A_82, %get3A_96, %broadcast_in_dim3A_98 : vector<16xi1>, vector<16xi32>
      %swap3A_100 = arith.index_cast %scan3A_15 : i32 to index
      %swap3A_101 = arith.constant 32 : index
      %swap3A_102 = tpu.vector_load %arg7[%swap3A_100, %swap3A_101] {strides = array<i32>} : memref<160x128xi32, #tpu.memory_space<vmem>>, vector<1x16xi32>,
      %swap3A_103 = vector.shape_cast %swap3A_102 : vector<1x16xi32> to vector<16xi32>
      %swap3A_104 = vector.shape_cast %select_n3A_99 : vector<16xi32> to vector<1x16xi32>
      tpu.vector_store %arg7[%swap3A_100, %swap3A_101], %swap3A_104 {strides = array<i32>} : memref<160x128xi32, #tpu.memory_space<vmem>>, vector<1x16xi32>,
      %get3A_105 = arith.index_cast %scan3A_15 : i32 to index
      %get3A_106 = arith.constant 48 : index
      %get3A_107 = tpu.vector_load %arg8[%get3A_105, %get3A_106] {strides = array<i32>} : memref<160x128xi32, #tpu.memory_space<vmem>>, vector<1x16xi32>,
      %get3A_108 = vector.shape_cast %get3A_107 : vector<1x16xi32> to vector<16xi32>
      %ge3A_109 = vector.broadcast %mul3A_2 : i32 to vector<16xi32>
      %ge3A_110 = arith.cmpi sge, %get3A_108, %ge3A_109 : vector<16xi32>
      %add3A_111 = arith.constant 5120 : i32
      %add3A_112 = arith.addi %mul3A_2, %add3A_111 : i32
      %lt3A_113 = vector.broadcast %add3A_112 : i32 to vector<16xi32>
      %lt3A_114 = arith.cmpi slt, %get3A_108, %lt3A_113 : vector<16xi32>
      %and3A_115 = arith.andi %ge3A_110, %lt3A_114 : vector<16xi1>
      %sub3A_116 = vector.broadcast %mul3A_2 : i32 to vector<16xi32>
      %sub3A_117 = arith.subi %get3A_108, %sub3A_116 : vector<16xi32>
      %jit3A_118 = arith.constant 0 : i32
      %broadcast_in_dim3A_119 = vector.broadcast %jit3A_118 : i32 to vector<16xi32>
      %select_n3A_120 = arith.select %and3A_115, %sub3A_117, %broadcast_in_dim3A_119 : vector<16xi1>, vector<16xi32>
      %swap3A_121 = arith.index_cast %scan3A_15 : i32 to index
      %swap3A_122 = arith.constant 48 : index
      %swap3A_123 = tpu.vector_load %arg8[%swap3A_121, %swap3A_122] {strides = array<i32>} : memref<160x128xi32, #tpu.memory_space<vmem>>, vector<1x16xi32>,
      %swap3A_124 = vector.shape_cast %swap3A_123 : vector<1x16xi32> to vector<16xi32>
      %swap3A_125 = vector.shape_cast %select_n3A_120 : vector<16xi32> to vector<1x16xi32>
      tpu.vector_store %arg8[%swap3A_121, %swap3A_122], %swap3A_125 {strides = array<i32>} : memref<160x128xi32, #tpu.memory_space<vmem>>, vector<1x16xi32>,
      %get3A_126 = arith.index_cast %scan3A_15 : i32 to index
      %get3A_127 = arith.constant 48 : index
      %get3A_128 = tpu.vector_load %arg7[%get3A_126, %get3A_127] {strides = array<i32>} : memref<160x128xi32, #tpu.memory_space<vmem>>, vector<1x16xi32>,
      %get3A_129 = vector.shape_cast %get3A_128 : vector<1x16xi32> to vector<16xi32>
      %jit3A_130 = arith.constant 10016 : i32
      %broadcast_in_dim3A_131 = vector.broadcast %jit3A_130 : i32 to vector<16xi32>
      %select_n3A_132 = arith.select %and3A_115, %get3A_129, %broadcast_in_dim3A_131 : vector<16xi1>, vector<16xi32>
      %swap3A_133 = arith.index_cast %scan3A_15 : i32 to index
      %swap3A_134 = arith.constant 48 : index
      %swap3A_135 = tpu.vector_load %arg7[%swap3A_133, %swap3A_134] {strides = array<i32>} : memref<160x128xi32, #tpu.memory_space<vmem>>, vector<1x16xi32>,
      %swap3A_136 = vector.shape_cast %swap3A_135 : vector<1x16xi32> to vector<16xi32>
      %swap3A_137 = vector.shape_cast %select_n3A_132 : vector<16xi32> to vector<1x16xi32>
      tpu.vector_store %arg7[%swap3A_133, %swap3A_134], %swap3A_137 {strides = array<i32>} : memref<160x128xi32, #tpu.memory_space<vmem>>, vector<1x16xi32>,
      %get3A_138 = arith.index_cast %scan3A_15 : i32 to index
      %get3A_139 = arith.constant 64 : index
      %get3A_140 = tpu.vector_load %arg8[%get3A_138, %get3A_139] {strides = array<i32>} : memref<160x128xi32, #tpu.memory_space<vmem>>, vector<1x16xi32>,
      %get3A_141 = vector.shape_cast %get3A_140 : vector<1x16xi32> to vector<16xi32>
      %ge3A_142 = vector.broadcast %mul3A_2 : i32 to vector<16xi32>
      %ge3A_143 = arith.cmpi sge, %get3A_141, %ge3A_142 : vector<16xi32>
      %add3A_144 = arith.constant 5120 : i32
      %add3A_145 = arith.addi %mul3A_2, %add3A_144 : i32
      %lt3A_146 = vector.broadcast %add3A_145 : i32 to vector<16xi32>
      %lt3A_147 = arith.cmpi slt, %get3A_141, %lt3A_146 : vector<16xi32>
      %and3A_148 = arith.andi %ge3A_143, %lt3A_147 : vector<16xi1>
      %sub3A_149 = vector.broadcast %mul3A_2 : i32 to vector<16xi32>
      %sub3A_150 = arith.subi %get3A_141, %sub3A_149 : vector<16xi32>
      %jit3A_151 = arith.constant 0 : i32
      %broadcast_in_dim3A_152 = vector.broadcast %jit3A_151 : i32 to vector<16xi32>
      %select_n3A_153 = arith.select %and3A_148, %sub3A_150, %broadcast_in_dim3A_152 : vector<16xi1>, vector<16xi32>
      %swap3A_154 = arith.index_cast %scan3A_15 : i32 to index
      %swap3A_155 = arith.constant 64 : index
      %swap3A_156 = tpu.vector_load %arg8[%swap3A_154, %swap3A_155] {strides = array<i32>} : memref<160x128xi32, #tpu.memory_space<vmem>>, vector<1x16xi32>,
      %swap3A_157 = vector.shape_cast %swap3A_156 : vector<1x16xi32> to vector<16xi32>
      %swap3A_158 = vector.shape_cast %select_n3A_153 : vector<16xi32> to vector<1x16xi32>
      tpu.vector_store %arg8[%swap3A_154, %swap3A_155], %swap3A_158 {strides = array<i32>} : memref<160x128xi32, #tpu.memory_space<vmem>>, vector<1x16xi32>,
      %get3A_159 = arith.index_cast %scan3A_15 : i32 to index
      %get3A_160 = arith.constant 64 : index
      %get3A_161 = tpu.vector_load %arg7[%get3A_159, %get3A_160] {strides = array<i32>} : memref<160x128xi32, #tpu.memory_space<vmem>>, vector<1x16xi32>,
      %get3A_162 = vector.shape_cast %get3A_161 : vector<1x16xi32> to vector<16xi32>
      %jit3A_163 = arith.constant 10016 : i32
      %broadcast_in_dim3A_164 = vector.broadcast %jit3A_163 : i32 to vector<16xi32>
      %select_n3A_165 = arith.select %and3A_148, %get3A_162, %broadcast_in_dim3A_164 : vector<16xi1>, vector<16xi32>
      %swap3A_166 = arith.index_cast %scan3A_15 : i32 to index
      %swap3A_167 = arith.constant 64 : index
      %swap3A_168 = tpu.vector_load %arg7[%swap3A_166, %swap3A_167] {strides = array<i32>} : memref<160x128xi32, #tpu.memory_space<vmem>>, vector<1x16xi32>,
      %swap3A_169 = vector.shape_cast %swap3A_168 : vector<1x16xi32> to vector<16xi32>
      %swap3A_170 = vector.shape_cast %select_n3A_165 : vector<16xi32> to vector<1x16xi32>
      tpu.vector_store %arg7[%swap3A_166, %swap3A_167], %swap3A_170 {strides = array<i32>} : memref<160x128xi32, #tpu.memory_space<vmem>>, vector<1x16xi32>,
      %get3A_171 = arith.index_cast %scan3A_15 : i32 to index
      %get3A_172 = arith.constant 80 : index
      %get3A_173 = tpu.vector_load %arg8[%get3A_171, %get3A_172] {strides = array<i32>} : memref<160x128xi32, #tpu.memory_space<vmem>>, vector<1x16xi32>,
      %get3A_174 = vector.shape_cast %get3A_173 : vector<1x16xi32> to vector<16xi32>
      %ge3A_175 = vector.broadcast %mul3A_2 : i32 to vector<16xi32>
      %ge3A_176 = arith.cmpi sge, %get3A_174, %ge3A_175 : vector<16xi32>
      %add3A_177 = arith.constant 5120 : i32
      %add3A_178 = arith.addi %mul3A_2, %add3A_177 : i32
      %lt3A_179 = vector.broadcast %add3A_178 : i32 to vector<16xi32>
      %lt3A_180 = arith.cmpi slt, %get3A_174, %lt3A_179 : vector<16xi32>
      %and3A_181 = arith.andi %ge3A_176, %lt3A_180 : vector<16xi1>
      %sub3A_182 = vector.broadcast %mul3A_2 : i32 to vector<16xi32>
      %sub3A_183 = arith.subi %get3A_174, %sub3A_182 : vector<16xi32>
      %jit3A_184 = arith.constant 0 : i32
      %broadcast_in_dim3A_185 = vector.broadcast %jit3A_184 : i32 to vector<16xi32>
      %select_n3A_186 = arith.select %and3A_181, %sub3A_183, %broadcast_in_dim3A_185 : vector<16xi1>, vector<16xi32>
      %swap3A_187 = arith.index_cast %scan3A_15 : i32 to index
      %swap3A_188 = arith.constant 80 : index
      %swap3A_189 = tpu.vector_load %arg8[%swap3A_187, %swap3A_188] {strides = array<i32>} : memref<160x128xi32, #tpu.memory_space<vmem>>, vector<1x16xi32>,
      %swap3A_190 = vector.shape_cast %swap3A_189 : vector<1x16xi32> to vector<16xi32>
      %swap3A_191 = vector.shape_cast %select_n3A_186 : vector<16xi32> to vector<1x16xi32>
      tpu.vector_store %arg8[%swap3A_187, %swap3A_188], %swap3A_191 {strides = array<i32>} : memref<160x128xi32, #tpu.memory_space<vmem>>, vector<1x16xi32>,
      %get3A_192 = arith.index_cast %scan3A_15 : i32 to index
      %get3A_193 = arith.constant 80 : index
      %get3A_194 = tpu.vector_load %arg7[%get3A_192, %get3A_193] {strides = array<i32>} : memref<160x128xi32, #tpu.memory_space<vmem>>, vector<1x16xi32>,
      %get3A_195 = vector.shape_cast %get3A_194 : vector<1x16xi32> to vector<16xi32>
      %jit3A_196 = arith.constant 10016 : i32
      %broadcast_in_dim3A_197 = vector.broadcast %jit3A_196 : i32 to vector<16xi32>
      %select_n3A_198 = arith.select %and3A_181, %get3A_195, %broadcast_in_dim3A_197 : vector<16xi1>, vector<16xi32>
      %swap3A_199 = arith.index_cast %scan3A_15 : i32 to index
      %swap3A_200 = arith.constant 80 : index
      %swap3A_201 = tpu.vector_load %arg7[%swap3A_199, %swap3A_200] {strides = array<i32>} : memref<160x128xi32, #tpu.memory_space<vmem>>, vector<1x16xi32>,
      %swap3A_202 = vector.shape_cast %swap3A_201 : vector<1x16xi32> to vector<16xi32>
      %swap3A_203 = vector.shape_cast %select_n3A_198 : vector<16xi32> to vector<1x16xi32>
      tpu.vector_store %arg7[%swap3A_199, %swap3A_200], %swap3A_203 {strides = array<i32>} : memref<160x128xi32, #tpu.memory_space<vmem>>, vector<1x16xi32>,
      %get3A_204 = arith.index_cast %scan3A_15 : i32 to index
      %get3A_205 = arith.constant 96 : index
      %get3A_206 = tpu.vector_load %arg8[%get3A_204, %get3A_205] {strides = array<i32>} : memref<160x128xi32, #tpu.memory_space<vmem>>, vector<1x16xi32>,
      %get3A_207 = vector.shape_cast %get3A_206 : vector<1x16xi32> to vector<16xi32>
      %ge3A_208 = vector.broadcast %mul3A_2 : i32 to vector<16xi32>
      %ge3A_209 = arith.cmpi sge, %get3A_207, %ge3A_208 : vector<16xi32>
      %add3A_210 = arith.constant 5120 : i32
      %add3A_211 = arith.addi %mul3A_2, %add3A_210 : i32
      %lt3A_212 = vector.broadcast %add3A_211 : i32 to vector<16xi32>
      %lt3A_213 = arith.cmpi slt, %get3A_207, %lt3A_212 : vector<16xi32>
      %and3A_214 = arith.andi %ge3A_209, %lt3A_213 : vector<16xi1>
      %sub3A_215 = vector.broadcast %mul3A_2 : i32 to vector<16xi32>
      %sub3A_216 = arith.subi %get3A_207, %sub3A_215 : vector<16xi32>
      %jit3A_217 = arith.constant 0 : i32
      %broadcast_in_dim3A_218 = vector.broadcast %jit3A_217 : i32 to vector<16xi32>
      %select_n3A_219 = arith.select %and3A_214, %sub3A_216, %broadcast_in_dim3A_218 : vector<16xi1>, vector<16xi32>
      %swap3A_220 = arith.index_cast %scan3A_15 : i32 to index
      %swap3A_221 = arith.constant 96 : index
      %swap3A_222 = tpu.vector_load %arg8[%swap3A_220, %swap3A_221] {strides = array<i32>} : memref<160x128xi32, #tpu.memory_space<vmem>>, vector<1x16xi32>,
      %swap3A_223 = vector.shape_cast %swap3A_222 : vector<1x16xi32> to vector<16xi32>
      %swap3A_224 = vector.shape_cast %select_n3A_219 : vector<16xi32> to vector<1x16xi32>
      tpu.vector_store %arg8[%swap3A_220, %swap3A_221], %swap3A_224 {strides = array<i32>} : memref<160x128xi32, #tpu.memory_space<vmem>>, vector<1x16xi32>,
      %get3A_225 = arith.index_cast %scan3A_15 : i32 to index
      %get3A_226 = arith.constant 96 : index
      %get3A_227 = tpu.vector_load %arg7[%get3A_225, %get3A_226] {strides = array<i32>} : memref<160x128xi32, #tpu.memory_space<vmem>>, vector<1x16xi32>,
      %get3A_228 = vector.shape_cast %get3A_227 : vector<1x16xi32> to vector<16xi32>
      %jit3A_229 = arith.constant 10016 : i32
      %broadcast_in_dim3A_230 = vector.broadcast %jit3A_229 : i32 to vector<16xi32>
      %select_n3A_231 = arith.select %and3A_214, %get3A_228, %broadcast_in_dim3A_230 : vector<16xi1>, vector<16xi32>
      %swap3A_232 = arith.index_cast %scan3A_15 : i32 to index
      %swap3A_233 = arith.constant 96 : index
      %swap3A_234 = tpu.vector_load %arg7[%swap3A_232, %swap3A_233] {strides = array<i32>} : memref<160x128xi32, #tpu.memory_space<vmem>>, vector<1x16xi32>,
      %swap3A_235 = vector.shape_cast %swap3A_234 : vector<1x16xi32> to vector<16xi32>
      %swap3A_236 = vector.shape_cast %select_n3A_231 : vector<16xi32> to vector<1x16xi32>
      tpu.vector_store %arg7[%swap3A_232, %swap3A_233], %swap3A_236 {strides = array<i32>} : memref<160x128xi32, #tpu.memory_space<vmem>>, vector<1x16xi32>,
      %get3A_237 = arith.index_cast %scan3A_15 : i32 to index
      %get3A_238 = arith.constant 112 : index
      %get3A_239 = tpu.vector_load %arg8[%get3A_237, %get3A_238] {strides = array<i32>} : memref<160x128xi32, #tpu.memory_space<vmem>>, vector<1x16xi32>,
      %get3A_240 = vector.shape_cast %get3A_239 : vector<1x16xi32> to vector<16xi32>
      %ge3A_241 = vector.broadcast %mul3A_2 : i32 to vector<16xi32>
      %ge3A_242 = arith.cmpi sge, %get3A_240, %ge3A_241 : vector<16xi32>
      %add3A_243 = arith.constant 5120 : i32
      %add3A_244 = arith.addi %mul3A_2, %add3A_243 : i32
      %lt3A_245 = vector.broadcast %add3A_244 : i32 to vector<16xi32>
      %lt3A_246 = arith.cmpi slt, %get3A_240, %lt3A_245 : vector<16xi32>
      %and3A_247 = arith.andi %ge3A_242, %lt3A_246 : vector<16xi1>
      %sub3A_248 = vector.broadcast %mul3A_2 : i32 to vector<16xi32>
      %sub3A_249 = arith.subi %get3A_240, %sub3A_248 : vector<16xi32>
      %jit3A_250 = arith.constant 0 : i32
      %broadcast_in_dim3A_251 = vector.broadcast %jit3A_250 : i32 to vector<16xi32>
      %select_n3A_252 = arith.select %and3A_247, %sub3A_249, %broadcast_in_dim3A_251 : vector<16xi1>, vector<16xi32>
      %swap3A_253 = arith.index_cast %scan3A_15 : i32 to index
      %swap3A_254 = arith.constant 112 : index
      %swap3A_255 = tpu.vector_load %arg8[%swap3A_253, %swap3A_254] {strides = array<i32>} : memref<160x128xi32, #tpu.memory_space<vmem>>, vector<1x16xi32>,
      %swap3A_256 = vector.shape_cast %swap3A_255 : vector<1x16xi32> to vector<16xi32>
      %swap3A_257 = vector.shape_cast %select_n3A_252 : vector<16xi32> to vector<1x16xi32>
      tpu.vector_store %arg8[%swap3A_253, %swap3A_254], %swap3A_257 {strides = array<i32>} : memref<160x128xi32, #tpu.memory_space<vmem>>, vector<1x16xi32>,
      %get3A_258 = arith.index_cast %scan3A_15 : i32 to index
      %get3A_259 = arith.constant 112 : index
      %get3A_260 = tpu.vector_load %arg7[%get3A_258, %get3A_259] {strides = array<i32>} : memref<160x128xi32, #tpu.memory_space<vmem>>, vector<1x16xi32>,
      %get3A_261 = vector.shape_cast %get3A_260 : vector<1x16xi32> to vector<16xi32>
      %jit3A_262 = arith.constant 10016 : i32
      %broadcast_in_dim3A_263 = vector.broadcast %jit3A_262 : i32 to vector<16xi32>
      %select_n3A_264 = arith.select %and3A_247, %get3A_261, %broadcast_in_dim3A_263 : vector<16xi1>, vector<16xi32>
      %swap3A_265 = arith.index_cast %scan3A_15 : i32 to index
      %swap3A_266 = arith.constant 112 : index
      %swap3A_267 = tpu.vector_load %arg7[%swap3A_265, %swap3A_266] {strides = array<i32>} : memref<160x128xi32, #tpu.memory_space<vmem>>, vector<1x16xi32>,
      %swap3A_268 = vector.shape_cast %swap3A_267 : vector<1x16xi32> to vector<16xi32>
      %swap3A_269 = vector.shape_cast %select_n3A_264 : vector<16xi32> to vector<1x16xi32>
      tpu.vector_store %arg7[%swap3A_265, %swap3A_266], %swap3A_269 {strides = array<i32>} : memref<160x128xi32, #tpu.memory_space<vmem>>, vector<1x16xi32>,
    }
    %scan3A_7 = arith.constant 160 : i32
    %barrier3A = arith.constant 0 : index
    tpu.barrier barrier_id(%barrier3A)
    %scan3A_8 = arith.constant 0 : i32
    %scan3A_9 = arith.constant 0 : i32
    %scan3A_10 = arith.constant 80 : i32
    %scan3A_11 = arith.addi %scan3A_9, %scan3A_10 : i32
    %scan3A_12 = arith.constant 1 : i32
    scf.for %scan3A_15 = %scan3A_9 to %scan3A_11 step %scan3A_12  : i32 {
      %mul3A_16 = arith.constant 2 : i32
      %mul3A_17 = arith.muli %scan3A_15, %mul3A_16 : i32
      %add3A = arith.constant 0 : i32
      %add3A_18 = arith.addi %mul3A_17, %add3A : i32
      %dma_start3A = arith.constant 0 : i32
      %dma_start3A_19 = arith.constant 0 : i32
      %dma_start3A_20 = arith.constant 0 : i32
      %dma_start3A_21 = tpu.memref_slice %arg9[%dma_start3A, %dma_start3A_19, %dma_start3A_20] : memref<2x128x128xf32, #tpu.memory_space<vmem>> -> memref<1x128x128xf32, #tpu.memory_space<vmem>>
      %dma_start3A_22 = tpu.memref_squeeze %dma_start3A_21 : memref<1x128x128xf32, #tpu.memory_space<vmem>> -> memref<128x128xf32, #tpu.memory_space<vmem>>
      %dma_start3A_23 = arith.constant 0 : i32
      %dma_start3A_24 = tpu.memref_slice %arg7[%add3A_18, %dma_start3A_23] : memref<160x128xi32, #tpu.memory_space<vmem>> -> memref<1x128xi32, #tpu.memory_space<vmem>>
      %dma_start3A_25 = tpu.memref_squeeze %dma_start3A_24 : memref<1x128xi32, #tpu.memory_space<vmem>> -> memref<128xi32, #tpu.memory_space<vmem>>
      %dma_start3A_26 = arith.constant 0 : i32
      %dma_start3A_27 = arith.constant 0 : i32
      %dma_start3A_28 = tpu.memref_slice %arg2[%dma_start3A_26, %dma_start3A_27] : memref<10240x128xf32, #tpu.memory_space<hbm>> -> memref<10240x128xf32, #tpu.memory_space<hbm>>
      tpu.enqueue_indirect_dma source(%dma_start3A_28 : memref<10240x128xf32, #tpu.memory_space<hbm>>) target(%dma_start3A_22 : memref<128x128xf32, #tpu.memory_space<vmem>>) offsets(%dma_start3A_25 : memref<128xi32, #tpu.memory_space<vmem>>) semaphore(%arg11 : memref<!tpu.dma_semaphore, #tpu.memory_space<semaphore_mem>>)
      %mul3A_29 = arith.constant 2 : i32
      %mul3A_30 = arith.muli %scan3A_15, %mul3A_29 : i32
      %add3A_31 = arith.constant 1 : i32
      %add3A_32 = arith.addi %mul3A_30, %add3A_31 : i32
      %dma_start3A_33 = arith.constant 1 : i32
      %dma_start3A_34 = arith.constant 0 : i32
      %dma_start3A_35 = arith.constant 0 : i32
      %dma_start3A_36 = tpu.memref_slice %arg9[%dma_start3A_33, %dma_start3A_34, %dma_start3A_35] : memref<2x128x128xf32, #tpu.memory_space<vmem>> -> memref<1x128x128xf32, #tpu.memory_space<vmem>>
      %dma_start3A_37 = tpu.memref_squeeze %dma_start3A_36 : memref<1x128x128xf32, #tpu.memory_space<vmem>> -> memref<128x128xf32, #tpu.memory_space<vmem>>
      %dma_start3A_38 = arith.constant 0 : i32
      %dma_start3A_39 = tpu.memref_slice %arg7[%add3A_32, %dma_start3A_38] : memref<160x128xi32, #tpu.memory_space<vmem>> -> memref<1x128xi32, #tpu.memory_space<vmem>>
      %dma_start3A_40 = tpu.memref_squeeze %dma_start3A_39 : memref<1x128xi32, #tpu.memory_space<vmem>> -> memref<128xi32, #tpu.memory_space<vmem>>
      %dma_start3A_41 = arith.constant 0 : i32
      %dma_start3A_42 = arith.constant 0 : i32
      %dma_start3A_43 = tpu.memref_slice %arg2[%dma_start3A_41, %dma_start3A_42] : memref<10240x128xf32, #tpu.memory_space<hbm>> -> memref<10240x128xf32, #tpu.memory_space<hbm>>
      tpu.enqueue_indirect_dma source(%dma_start3A_43 : memref<10240x128xf32, #tpu.memory_space<hbm>>) target(%dma_start3A_37 : memref<128x128xf32, #tpu.memory_space<vmem>>) offsets(%dma_start3A_40 : memref<128xi32, #tpu.memory_space<vmem>>) semaphore(%arg11 : memref<!tpu.dma_semaphore, #tpu.memory_space<semaphore_mem>>)
      %dma_wait3A = arith.constant 0 : i32
      %dma_wait3A_44 = arith.constant 0 : i32
      %dma_wait3A_45 = arith.constant 0 : i32
      %dma_wait3A_46 = tpu.memref_slice %arg9[%dma_wait3A, %dma_wait3A_44, %dma_wait3A_45] : memref<2x128x128xf32, #tpu.memory_space<vmem>> -> memref<1x128x128xf32, #tpu.memory_space<vmem>>
      %dma_wait3A_47 = tpu.memref_squeeze %dma_wait3A_46 : memref<1x128x128xf32, #tpu.memory_space<vmem>> -> memref<128x128xf32, #tpu.memory_space<vmem>>
      %dma_wait3A_48 = arith.constant 0 : i32
      %dma_wait3A_49 = tpu.memref_slice %arg7[%add3A_18, %dma_wait3A_48] : memref<160x128xi32, #tpu.memory_space<vmem>> -> memref<1x128xi32, #tpu.memory_space<vmem>>
      %dma_wait3A_50 = tpu.memref_squeeze %dma_wait3A_49 : memref<1x128xi32, #tpu.memory_space<vmem>> -> memref<128xi32, #tpu.memory_space<vmem>>
      %dma_wait3A_51 = arith.constant 0 : i32
      %dma_wait3A_52 = arith.constant 0 : i32
      %dma_wait3A_53 = tpu.memref_slice %arg2[%dma_wait3A_51, %dma_wait3A_52] : memref<10240x128xf32, #tpu.memory_space<hbm>> -> memref<10240x128xf32, #tpu.memory_space<hbm>>
      tpu.wait_indirect_dma semaphore(%arg11 : memref<!tpu.dma_semaphore, #tpu.memory_space<semaphore_mem>>) src(%dma_wait3A_53 : memref<10240x128xf32, #tpu.memory_space<hbm>>) dst(%dma_wait3A_47 : memref<128x128xf32, #tpu.memory_space<vmem>>)
      %dma_wait3A_54 = arith.constant 1 : i32
      %dma_wait3A_55 = arith.constant 0 : i32
      %dma_wait3A_56 = arith.constant 0 : i32
      %dma_wait3A_57 = tpu.memref_slice %arg9[%dma_wait3A_54, %dma_wait3A_55, %dma_wait3A_56] : memref<2x128x128xf32, #tpu.memory_space<vmem>> -> memref<1x128x128xf32, #tpu.memory_space<vmem>>
      %dma_wait3A_58 = tpu.memref_squeeze %dma_wait3A_57 : memref<1x128x128xf32, #tpu.memory_space<vmem>> -> memref<128x128xf32, #tpu.memory_space<vmem>>
      %dma_wait3A_59 = arith.constant 0 : i32
      %dma_wait3A_60 = tpu.memref_slice %arg7[%add3A_32, %dma_wait3A_59] : memref<160x128xi32, #tpu.memory_space<vmem>> -> memref<1x128xi32, #tpu.memory_space<vmem>>
      %dma_wait3A_61 = tpu.memref_squeeze %dma_wait3A_60 : memref<1x128xi32, #tpu.memory_space<vmem>> -> memref<128xi32, #tpu.memory_space<vmem>>
      %dma_wait3A_62 = arith.constant 0 : i32
      %dma_wait3A_63 = arith.constant 0 : i32
      %dma_wait3A_64 = tpu.memref_slice %arg2[%dma_wait3A_62, %dma_wait3A_63] : memref<10240x128xf32, #tpu.memory_space<hbm>> -> memref<10240x128xf32, #tpu.memory_space<hbm>>
      tpu.wait_indirect_dma semaphore(%arg11 : memref<!tpu.dma_semaphore, #tpu.memory_space<semaphore_mem>>) src(%dma_wait3A_64 : memref<10240x128xf32, #tpu.memory_space<hbm>>) dst(%dma_wait3A_58 : memref<128x128xf32, #tpu.memory_space<vmem>>)
    }
    %scan3A_13 = arith.constant 80 : i32
    %barrier3A_14 = arith.constant 0 : index
    tpu.barrier barrier_id(%barrier3A_14)
    "tpu.region"() ({
      %run_scoped3A = tpu.sem_alloc : memref<!tpu.dma_semaphore, #tpu.memory_space<semaphore_mem>>
      %dma_start3A = arith.constant 0 : i32
      %dma_start3A_15 = tpu.memref_slice %arg6[%arg0, %mul3A_0, %dma_start3A] : memref<2x5120x128xf32, #tpu.memory_space<hbm>> -> memref<1x320x128xf32, #tpu.memory_space<hbm>>
      %dma_start3A_16 = tpu.memref_squeeze %dma_start3A_15 : memref<1x320x128xf32, #tpu.memory_space<hbm>> -> memref<320x128xf32, #tpu.memory_space<hbm>>
      %dma_start3A_17 = arith.constant 0 : i32
      %dma_start3A_18 = tpu.memref_slice %arg10[%mul3A_0, %dma_start3A_17] : memref<5120x128xf32, #tpu.memory_space<vmem_shared>> -> memref<320x128xf32, #tpu.memory_space<vmem_shared>>
      tpu.enqueue_dma source(%dma_start3A_18 : memref<320x128xf32, #tpu.memory_space<vmem_shared>>) target(%dma_start3A_16 : memref<320x128xf32, #tpu.memory_space<hbm>>) target_semaphore(%run_scoped3A : memref<!tpu.dma_semaphore, #tpu.memory_space<semaphore_mem>>)
      %dma_wait3A = arith.constant 0 : i32
      %dma_wait3A_19 = tpu.memref_slice %arg6[%arg0, %mul3A_0, %dma_wait3A] : memref<2x5120x128xf32, #tpu.memory_space<hbm>> -> memref<1x320x128xf32, #tpu.memory_space<hbm>>
      %dma_wait3A_20 = tpu.memref_squeeze %dma_wait3A_19 : memref<1x320x128xf32, #tpu.memory_space<hbm>> -> memref<320x128xf32, #tpu.memory_space<hbm>>
      %dma_wait3A_21 = arith.constant 0 : i32
      %dma_wait3A_22 = tpu.memref_slice %arg10[%mul3A_0, %dma_wait3A_21] : memref<5120x128xf32, #tpu.memory_space<vmem_shared>> -> memref<320x128xf32, #tpu.memory_space<vmem_shared>>
      tpu.wait_dma2 semaphore(%run_scoped3A : memref<!tpu.dma_semaphore, #tpu.memory_space<semaphore_mem>>) src(%dma_wait3A_22 : memref<320x128xf32, #tpu.memory_space<vmem_shared>>) dst(%dma_wait3A_20 : memref<320x128xf32, #tpu.memory_space<hbm>>)
      tpu.yield
    }) : () -> ()
    return
  }
}

module attributes {stable_mosaic.version = 14 : i64} {
  func.func @_step_body(%arg0: i32, %arg1: memref<1x128xf32, #tpu.memory_space<vmem>>, %arg2: memref<1x1280x128xf32, #tpu.memory_space<vmem>>, %arg3: memref<1280x128xf32, #tpu.memory_space<vmem>>, %arg4: memref<1280x128xf32, #tpu.memory_space<vmem>>, %arg5: memref<1280x128xf32, #tpu.memory_space<vmem>>, %arg6: memref<1x128xf32, #tpu.memory_space<vmem>>, %arg7: memref<128x128xf32, #tpu.memory_space<vmem>>, %arg8: memref<1280x128xf32, #tpu.memory_space<vmem>>, %arg9: memref<1280x128xf32, #tpu.memory_space<vmem>>, %arg10: memref<1280x128xf32, #tpu.memory_space<vmem>>) attributes {dimension_semantics = [#tpu.dimension_semantics<arbitrary>], iteration_bounds = array<i64: 8>, scalar_prefetch = 0 : i64, scratch_operands = 0 : i64, tpu.core_type = #tpu.core_type<tc>, window_params = [{pipeline_mode = #tpu.pipeline_mode<synchronous>, transform_indices = @transform_0, window_bounds = array<i64: 1, 128>}, {transform_indices = @transform_1, window_bounds = array<i64: 1, 1280, 128>}, {transform_indices = @transform_2, window_bounds = array<i64: 1280, 128>}, {transform_indices = @transform_3, window_bounds = array<i64: 1280, 128>}, {transform_indices = @transform_4, window_bounds = array<i64: 1280, 128>}, {pipeline_mode = #tpu.pipeline_mode<synchronous>, transform_indices = @transform_5, window_bounds = array<i64: 1, 128>}, {pipeline_mode = #tpu.pipeline_mode<synchronous>, transform_indices = @transform_6, window_bounds = array<i64: 128, 128>}, {transform_indices = @transform_7, window_bounds = array<i64: 1280, 128>}, {transform_indices = @transform_8, window_bounds = array<i64: 1280, 128>}, {transform_indices = @transform_9, window_bounds = array<i64: 1280, 128>}]} {
    %get3A = arith.constant 0 : index
    %get3A_0 = arith.constant 0 : index
    %get3A_1 = vector.load %arg1[%get3A, %get3A_0] : memref<1x128xf32, #tpu.memory_space<vmem>>, vector<1x128xf32>
    %gt3A = arith.constant 0.000000e+00 : f32
    %gt3A_2 = vector.broadcast %gt3A : f32 to vector<1x128xf32>
    %gt3A_3 = arith.cmpf ogt, %get3A_1, %gt3A_2 : vector<1x128xf32>
    %get3A_4 = arith.constant 0 : index
    %get3A_5 = arith.constant 0 : index
    %get3A_6 = arith.constant 0 : index
    %get3A_7 = vector.load %arg2[%get3A_4, %get3A_5, %get3A_6] : memref<1x1280x128xf32, #tpu.memory_space<vmem>>, vector<1x1280x128xf32>
    %squeeze3A = vector.shape_cast %get3A_7 : vector<1x1280x128xf32> to vector<1280x128xf32>
    %add3A = arith.constant 1.000000e+00 : f32
    %add3A_8 = vector.broadcast %add3A : f32 to vector<1280x128xf32>
    %add3A_9 = arith.addf %squeeze3A, %add3A_8 : vector<1280x128xf32>
    %rsqrt3A = math.rsqrt %add3A_9 : vector<1280x128xf32>
    %get3A_10 = arith.constant 0 : index
    %get3A_11 = arith.constant 0 : index
    %get3A_12 = vector.load %arg4[%get3A_10, %get3A_11] : memref<1280x128xf32, #tpu.memory_space<vmem>>, vector<1280x128xf32>
    %broadcast_in_dim3A = vector.shape_cast %gt3A_3 : vector<1x128xi1> to vector<1x128xi1>
    %broadcast_in_dim3A_13 = vector.broadcast %broadcast_in_dim3A : vector<1x128xi1> to vector<1280x128xi1>
    %select_n3A = arith.select %broadcast_in_dim3A_13, %rsqrt3A, %get3A_12 : vector<1280x128xi1>, vector<1280x128xf32>
    %iota3A = tpu.iota {dimensions = array<i32: 0>} : vector<1280x1xi32>
    %mul3A = arith.constant 1280 : i32
    %mul3A_14 = arith.muli %arg0, %mul3A : i32
    %add3A_15 = vector.broadcast %mul3A_14 : i32 to vector<1280x1xi32>
    %add3A_16 = arith.addi %iota3A, %add3A_15 : vector<1280x1xi32>
    %get3A_17 = arith.constant 0 : index
    %get3A_18 = arith.constant 0 : index
    %get3A_19 = vector.load %arg3[%get3A_17, %get3A_18] : memref<1280x128xf32, #tpu.memory_space<vmem>>, vector<1280x128xf32>
    %add3A_20 = arith.addf %squeeze3A, %get3A_19 : vector<1280x128xf32>
    %mul3A_21 = arith.mulf %select_n3A, %add3A_20 : vector<1280x128xf32>
    %get3A_22 = arith.constant 0 : index
    %get3A_23 = arith.constant 0 : index
    %get3A_24 = vector.load %arg6[%get3A_22, %get3A_23] : memref<1x128xf32, #tpu.memory_space<vmem>>, vector<1x128xf32>
    %add3A_25 = vector.broadcast %get3A_24 : vector<1x128xf32> to vector<1280x128xf32>
    %add3A_26 = arith.addf %mul3A_21, %add3A_25 : vector<1280x128xf32>
    %max3A = arith.constant 0.000000e+00 : f32
    %max3A_27 = vector.broadcast %max3A : f32 to vector<1280x128xf32>
    %max3A_28 = arith.maximumf %add3A_26, %max3A_27 : vector<1280x128xf32>
    %lt3A = arith.constant 10000 : i32
    %lt3A_29 = vector.broadcast %lt3A : i32 to vector<1280x1xi32>
    %lt3A_30 = arith.cmpi slt, %add3A_16, %lt3A_29 : vector<1280x1xi32>
    %jit3A = arith.constant 0.000000e+00 : f32
    %broadcast_in_dim3A_31 = vector.shape_cast %lt3A_30 : vector<1280x1xi1> to vector<1280x1xi1>
    %broadcast_in_dim3A_32 = vector.broadcast %broadcast_in_dim3A_31 : vector<1280x1xi1> to vector<1280x128xi1>
    %broadcast_in_dim3A_33 = vector.broadcast %jit3A : f32 to vector<1280x128xf32>
    %select_n3A_34 = arith.select %broadcast_in_dim3A_32, %max3A_28, %broadcast_in_dim3A_33 : vector<1280x128xi1>, vector<1280x128xf32>
    %get3A_35 = arith.constant 0 : index
    %get3A_36 = arith.constant 0 : index
    %get3A_37 = vector.load %arg5[%get3A_35, %get3A_36] : memref<1280x128xf32, #tpu.memory_space<vmem>>, vector<1280x128xf32>
    %mul3A_38 = arith.mulf %select_n3A, %select_n3A_34 : vector<1280x128xf32>
    %broadcast_in_dim3A_39 = vector.shape_cast %gt3A_3 : vector<1x128xi1> to vector<1x128xi1>
    %broadcast_in_dim3A_40 = vector.broadcast %broadcast_in_dim3A_39 : vector<1x128xi1> to vector<1280x128xi1>
    %select_n3A_41 = arith.select %broadcast_in_dim3A_40, %get3A_37, %mul3A_38 : vector<1280x128xi1>, vector<1280x128xf32>
    %get3A_42 = arith.constant 0 : index
    %get3A_43 = arith.constant 0 : index
    %get3A_44 = vector.load %arg7[%get3A_42, %get3A_43] : memref<128x128xf32, #tpu.memory_space<vmem>>, vector<128x128xf32>
    %dot_general3A = arith.constant dense<0.000000e+00> : vector<1280x128xf32>
    %dot_general3A_45 = tpu.matmul %select_n3A_41, %get3A_44, %dot_general3A {dimension_numbers = #tpu.dot_dimension_numbers<[1], [0], [0], [1], [0, 0, 1, 1], [], []>, transpose_lhs_hint = false} : vector<1280x128xf32>, vector<128x128xf32>, vector<1280x128xf32> -> vector<1280x128xf32>
    %mul3A_46 = arith.mulf %dot_general3A_45, %select_n3A : vector<1280x128xf32>
    %broadcast_in_dim3A_47 = vector.shape_cast %gt3A_3 : vector<1x128xi1> to vector<1x128xi1>
    %broadcast_in_dim3A_48 = vector.broadcast %broadcast_in_dim3A_47 : vector<1x128xi1> to vector<1280x128xi1>
    %select_n3A_49 = arith.select %broadcast_in_dim3A_48, %mul3A_46, %dot_general3A_45 : vector<1280x128xi1>, vector<1280x128xf32>
    %swap3A = arith.constant 0 : index
    %swap3A_50 = arith.constant 0 : index
    %swap3A_51 = vector.load %arg8[%swap3A, %swap3A_50] : memref<1280x128xf32, #tpu.memory_space<vmem>>, vector<1280x128xf32>
    tpu.vector_store %arg8[%swap3A, %swap3A_50], %select_n3A_49 {strides = array<i32>} : memref<1280x128xf32, #tpu.memory_space<vmem>>, vector<1280x128xf32>,
    %swap3A_52 = arith.constant 0 : index
    %swap3A_53 = arith.constant 0 : index
    %swap3A_54 = vector.load %arg9[%swap3A_52, %swap3A_53] : memref<1280x128xf32, #tpu.memory_space<vmem>>, vector<1280x128xf32>
    tpu.vector_store %arg9[%swap3A_52, %swap3A_53], %select_n3A {strides = array<i32>} : memref<1280x128xf32, #tpu.memory_space<vmem>>, vector<1280x128xf32>,
    %swap3A_55 = arith.constant 0 : index
    %swap3A_56 = arith.constant 0 : index
    %swap3A_57 = vector.load %arg10[%swap3A_55, %swap3A_56] : memref<1280x128xf32, #tpu.memory_space<vmem>>, vector<1280x128xf32>
    tpu.vector_store %arg10[%swap3A_55, %swap3A_56], %select_n3A_34 {strides = array<i32>} : memref<1280x128xf32, #tpu.memory_space<vmem>>, vector<1280x128xf32>,
    return
  }
  func.func @transform_0(%arg0: i32) -> (i32, i32) {
    %c0_i32 = arith.constant 0 : i32
    %c0_i32_0 = arith.constant 0 : i32
    %c0_i32_1 = arith.constant 0 : i32
    return %c0_i32, %c0_i32_0 : i32, i32
  }
  func.func @transform_1(%arg0: i32) -> (i32, i32, i32) {
    %jit3A = arith.constant 4 : i32
    %div3A = arith.divsi %arg0, %jit3A : i32
    %sign3A = arith.constant 0 : i32
    %sign3A_0 = arith.cmpi sgt, %arg0, %sign3A : i32
    %sign3A_1 = arith.extui %sign3A_0 : i1 to i32
    %sign3A_2 = arith.constant 0 : i32
    %sign3A_3 = arith.cmpi slt, %arg0, %sign3A_2 : i32
    %sign3A_4 = arith.extui %sign3A_3 : i1 to i32
    %sign3A_5 = arith.subi %sign3A_1, %sign3A_4 : i32
    %sign3A_6 = arith.constant 0 : i32
    %sign3A_7 = arith.cmpi sgt, %jit3A, %sign3A_6 : i32
    %sign3A_8 = arith.extui %sign3A_7 : i1 to i32
    %sign3A_9 = arith.constant 0 : i32
    %sign3A_10 = arith.cmpi slt, %jit3A, %sign3A_9 : i32
    %sign3A_11 = arith.extui %sign3A_10 : i1 to i32
    %sign3A_12 = arith.subi %sign3A_8, %sign3A_11 : i32
    %ne3A = arith.cmpi ne, %sign3A_5, %sign3A_12 : i32
    %rem3A = arith.remsi %arg0, %jit3A : i32
    %ne3A_13 = arith.constant 0 : i32
    %ne3A_14 = arith.cmpi ne, %rem3A, %ne3A_13 : i32
    %and3A = arith.andi %ne3A, %ne3A_14 : i1
    %sub3A = arith.constant 1 : i32
    %sub3A_15 = arith.subi %div3A, %sub3A : i32
    %select_n3A = arith.select %and3A, %sub3A_15, %div3A : i32
    %jit3A_16 = arith.constant 4 : i32
    %eq3A = arith.constant 0 : i32
    %eq3A_17 = arith.cmpi eq, %jit3A_16, %eq3A : i32
    %jit3A_18 = arith.constant 1 : i32
    %select_n3A_19 = arith.select %eq3A_17, %jit3A_18, %jit3A_16 : i32
    %rem3A_20 = arith.remsi %arg0, %select_n3A_19 : i32
    %ne3A_21 = arith.constant 0 : i32
    %ne3A_22 = arith.cmpi ne, %rem3A_20, %ne3A_21 : i32
    %lt3A = arith.constant 0 : i32
    %lt3A_23 = arith.cmpi slt, %rem3A_20, %lt3A : i32
    %lt3A_24 = arith.constant 0 : i32
    %lt3A_25 = arith.cmpi slt, %select_n3A_19, %lt3A_24 : i32
    %ne3A_26 = arith.xori %lt3A_23, %lt3A_25 : i1
    %and3A_27 = arith.andi %ne3A_26, %ne3A_22 : i1
    %add3A = arith.addi %rem3A_20, %select_n3A_19 : i32
    %select_n3A_28 = arith.select %and3A_27, %add3A, %rem3A_20 : i32
    %c0_i32 = arith.constant 0 : i32
    %c0_i32_29 = arith.constant 0 : i32
    return %select_n3A, %select_n3A_28, %c0_i32 : i32, i32, i32
  }
  func.func @transform_2(%arg0: i32) -> (i32, i32) {
    %c0_i32 = arith.constant 0 : i32
    %c0_i32_0 = arith.constant 0 : i32
    return %arg0, %c0_i32 : i32, i32
  }
  func.func @transform_3(%arg0: i32) -> (i32, i32) {
    %c0_i32 = arith.constant 0 : i32
    %c0_i32_0 = arith.constant 0 : i32
    return %arg0, %c0_i32 : i32, i32
  }
  func.func @transform_4(%arg0: i32) -> (i32, i32) {
    %c0_i32 = arith.constant 0 : i32
    %c0_i32_0 = arith.constant 0 : i32
    return %arg0, %c0_i32 : i32, i32
  }
  func.func @transform_5(%arg0: i32) -> (i32, i32) {
    %c0_i32 = arith.constant 0 : i32
    %c0_i32_0 = arith.constant 0 : i32
    %c0_i32_1 = arith.constant 0 : i32
    return %c0_i32, %c0_i32_0 : i32, i32
  }
  func.func @transform_6(%arg0: i32) -> (i32, i32) {
    %c0_i32 = arith.constant 0 : i32
    %c0_i32_0 = arith.constant 0 : i32
    %c0_i32_1 = arith.constant 0 : i32
    return %c0_i32, %c0_i32_0 : i32, i32
  }
  func.func @transform_7(%arg0: i32) -> (i32, i32) {
    %c0_i32 = arith.constant 0 : i32
    %c0_i32_0 = arith.constant 0 : i32
    return %arg0, %c0_i32 : i32, i32
  }
  func.func @transform_8(%arg0: i32) -> (i32, i32) {
    %c0_i32 = arith.constant 0 : i32
    %c0_i32_0 = arith.constant 0 : i32
    return %arg0, %c0_i32 : i32, i32
  }
  func.func @transform_9(%arg0: i32) -> (i32, i32) {
    %c0_i32 = arith.constant 0 : i32
    %c0_i32_0 = arith.constant 0 : i32
    return %arg0, %c0_i32 : i32, i32
  }
}

module attributes {stable_mosaic.version = 14 : i64} {
  func.func @_ke_body(%arg0: memref<10240x128xf32, #tpu.memory_space<vmem>>, %arg1: memref<1x10000xi32, #tpu.memory_space<vmem>>, %arg2: memref<128x256xf32, #tpu.memory_space<vmem>>, %arg3: memref<1x256xf32, #tpu.memory_space<vmem>>, %arg4: memref<256x128xf32, #tpu.memory_space<vmem>>, %arg5: memref<1x128xf32, #tpu.memory_space<vmem>>, %arg6: memref<64x128xf32, #tpu.memory_space<vmem>>) attributes {dimension_semantics = [], scalar_prefetch = 0 : i64, scratch_operands = 0 : i64, tpu.core_type = #tpu.core_type<tc>} {
    %get3A = arith.constant 0 : index
    %get3A_0 = arith.constant 0 : index
    %get3A_1 = vector.load %arg0[%get3A, %get3A_0] : memref<10240x128xf32, #tpu.memory_space<vmem>>, vector<10240x128xf32>
    %slice3A = vector.extract_strided_slice %get3A_1 {offsets = [0, 0], sizes = [10000, 128], strides = [1, 1]} : vector<10240x128xf32> to vector<10000x128xf32>
    %iota3A = tpu.iota {dimensions = array<i32: 0>} : vector<64x10000xi32>
    %get3A_2 = arith.constant 0 : index
    %get3A_3 = arith.constant 0 : index
    %get3A_4 = vector.load %arg1[%get3A_2, %get3A_3] : memref<1x10000xi32, #tpu.memory_space<vmem>>, vector<1x10000xi32>
    %eq3A = vector.broadcast %get3A_4 : vector<1x10000xi32> to vector<64x10000xi32>
    %eq3A_5 = arith.cmpi eq, %iota3A, %eq3A : vector<64x10000xi32>
    %convert_element_type3A = arith.extui %eq3A_5 : vector<64x10000xi1> to vector<64x10000xi32>
    %convert_element_type3A_6 = arith.sitofp %convert_element_type3A : vector<64x10000xi32> to vector<64x10000xf32>
    %dot_general3A = arith.constant dense<0.000000e+00> : vector<64x128xf32>
    %dot_general3A_7 = tpu.matmul %convert_element_type3A_6, %slice3A, %dot_general3A {dimension_numbers = #tpu.dot_dimension_numbers<[1], [0], [0], [1], [0, 0, 1, 1], [], []>, transpose_lhs_hint = false} : vector<64x10000xf32>, vector<10000x128xf32>, vector<64x128xf32> -> vector<64x128xf32>
    %reduce_sum3A = arith.constant dense<0.000000e+00> : vector<64xf32>
    %reduce_sum3A_8 = vector.multi_reduction <add>, %convert_element_type3A_6, %reduce_sum3A [1] : vector<64x10000xf32> to vector<64xf32>
    %broadcast_in_dim3A = vector.shape_cast %reduce_sum3A_8 : vector<64xf32> to vector<64x1xf32>
    %max3A = arith.constant 1.000000e+00 : f32
    %max3A_9 = vector.broadcast %max3A : f32 to vector<64x1xf32>
    %max3A_10 = arith.maximumf %broadcast_in_dim3A, %max3A_9 : vector<64x1xf32>
    %div3A = vector.broadcast %max3A_10 : vector<64x1xf32> to vector<64x128xf32>
    %div3A_11 = arith.divf %dot_general3A_7, %div3A : vector<64x128xf32>
    %get3A_12 = arith.constant 0 : index
    %get3A_13 = arith.constant 0 : index
    %get3A_14 = vector.load %arg2[%get3A_12, %get3A_13] : memref<128x256xf32, #tpu.memory_space<vmem>>, vector<128x256xf32>
    %dot_general3A_15 = arith.constant dense<0.000000e+00> : vector<64x256xf32>
    %dot_general3A_16 = tpu.matmul %div3A_11, %get3A_14, %dot_general3A_15 {dimension_numbers = #tpu.dot_dimension_numbers<[1], [0], [0], [1], [0, 0, 1, 1], [], []>, transpose_lhs_hint = false} : vector<64x128xf32>, vector<128x256xf32>, vector<64x256xf32> -> vector<64x256xf32>
    %get3A_17 = arith.constant 0 : index
    %get3A_18 = arith.constant 0 : index
    %get3A_19 = vector.load %arg3[%get3A_17, %get3A_18] : memref<1x256xf32, #tpu.memory_space<vmem>>, vector<1x256xf32>
    %add3A = vector.broadcast %get3A_19 : vector<1x256xf32> to vector<64x256xf32>
    %add3A_20 = arith.addf %dot_general3A_16, %add3A : vector<64x256xf32>
    %max3A_21 = arith.constant 0.000000e+00 : f32
    %max3A_22 = vector.broadcast %max3A_21 : f32 to vector<64x256xf32>
    %max3A_23 = arith.maximumf %add3A_20, %max3A_22 : vector<64x256xf32>
    %get3A_24 = arith.constant 0 : index
    %get3A_25 = arith.constant 0 : index
    %get3A_26 = vector.load %arg4[%get3A_24, %get3A_25] : memref<256x128xf32, #tpu.memory_space<vmem>>, vector<256x128xf32>
    %dot_general3A_27 = arith.constant dense<0.000000e+00> : vector<64x128xf32>
    %dot_general3A_28 = tpu.matmul %max3A_23, %get3A_26, %dot_general3A_27 {dimension_numbers = #tpu.dot_dimension_numbers<[1], [0], [0], [1], [0, 0, 1, 1], [], []>, transpose_lhs_hint = false} : vector<64x256xf32>, vector<256x128xf32>, vector<64x128xf32> -> vector<64x128xf32>
    %get3A_29 = arith.constant 0 : index
    %get3A_30 = arith.constant 0 : index
    %get3A_31 = vector.load %arg5[%get3A_29, %get3A_30] : memref<1x128xf32, #tpu.memory_space<vmem>>, vector<1x128xf32>
    %add3A_32 = vector.broadcast %get3A_31 : vector<1x128xf32> to vector<64x128xf32>
    %add3A_33 = arith.addf %dot_general3A_28, %add3A_32 : vector<64x128xf32>
    %swap3A = arith.constant 0 : index
    %swap3A_34 = arith.constant 0 : index
    %swap3A_35 = vector.load %arg6[%swap3A, %swap3A_34] : memref<64x128xf32, #tpu.memory_space<vmem>>, vector<64x128xf32>
    tpu.vector_store %arg6[%swap3A, %swap3A_34], %add3A_33 {strides = array<i32>} : memref<64x128xf32, #tpu.memory_space<vmem>>, vector<64x128xf32>,
    return
  }
}

</mosaic_0001>

<sc_bundles>
// kernel: closed_call.16.cloned.1.call-start
scs
__scs_entry_jumppad:
0x0: {  	(pc) =	sbr.rel $0x88, $3  }
0x1: {  	(tag) =	ssettag $0x0;
	lr =	simm.s32 $0x1  }
0x2: {  	[smem:$0x3F94] =	sst lr;
	_ =	strace $0xD0000000  }
0x3: {  	_ = 	snop  }
0x4: {  	_ = 	snop  }
0x5: {  	_ = 	snop  }
0x6: {  	_ = 	snop  }
0x7: {  	_ = 	snop  }
__scs_overlays_trampoline_lowered:
0x8: {  	[smem:$0x3FA3] =	sst s0  }
0x9: {  	[smem:$0x3FA4] =	sst s1  }
0xa: {  	[smem:$0x3FA5] =	sst s2  }
0xb: {  	[smem:$0x3FA6] =	sst s3  }
0xc: {  	[smem:$0x3FA7] =	sst s4  }
0xd: {  	[smem:$0x3FA8] =	sst s5  }
0xe: {  	[smem:$0x3FA9] =	sst s6  }
0xf: {  	[smem:$0x3FAA] =	sst s7  }
0x10: {  	[smem:$0x3FAB] =	sst s8  }
0x11: {  	[smem:$0x3FAC] =	sst s9;
	s0 =	simm.s32 @!p0 $0x0  }
0x12: {  	s1 =	sld [smem:$0x3F92];
	s0 =	simm.s32 @p0 $0x1  }
0x13: {  	[smem:$0x3FAD] =	sst s0;
	s0 =	simm.s32 @!p1 $0x0  }
0x14: {  	s2 =	sld [smem:$0x3F91];
	s0 =	simm.s32 @p1 $0x1  }
0x15: {  	[smem:$0x3FAE] =	sst s0;
	s0 =	simm.s32 @!p2 $0x0  }
0x16: {  	s3 =	sld [smem:$0x3FDB];
	s0 =	simm.s32 @p2 $0x1  }
0x17: {  	s4 =	simm.s32 $0x1BF5;
	[smem:$0x3FB0] =	sst s0  }
0x18: {  	s0 =	sld [smem:$0x3F93];
	_ =	swait.ge [sflag:s4], $0x0  }
0x19: {  	s7 =	sld [smem:$0x3F94]  }
0x1a: {  	s8 =	sadd.s32 $0xFFFFE003, lr  }
0x1b: {  	s9 =	sadd.s32 $0xFFFFFEF7, lr;
	s5 =	simm.s32 $0xFFFFFFFF;
	p2 =	slt.u32 s8, $0xFFFFF086  }
0x1c: {  	p1 =	slt.u32 s9, $0xF7A;
	s5 =	simm.s32 @!p2 $0x0  }
0x1d: {  	s5 =	simm.s32 @p1 $0x1;
	p0 =	seq.s32 s7, s2  }
0x1e: {  	s7 =	smul.u32 @!p0 $0xF7A, s2;
	p2 =	seq.s32 @!p0 s5, $0x0  }
0x1f: {  	s9 =	smul.u32 $0xF7A, s1;
	s8 =	simm.s32 @!p0 $0x1BF5;
	p2 =	por !p2, p0  }
0x20: {  	[sflag:s8] =	ssyncset.s32 @!p0 $0xFFFFF086;
	s6 =	sadd.s32 @!p0 s3, s7;
	s7 =	simm.s32 @!p0 $0x108  }
0x21: {  	s3 =	sadd.s32 s3, s9;
	s6 =	sadd.s32 @!p0 $0x88, s6;
	s7 =	simm.s32 @p2 $0x1082  }
0x22: {  	[simem:s7], [sflag:s8] =	dma.local @!p0 [hbm:s6], $0xF7A  }
0x23: {  	s9 =	sor.u32 $0xD0000000, s2;
	s6 =	simm.s32 $0x108;
	_ =	swait.ge @!p0 [sflag:s8], $0x0  }
0x24: {  	s3 =	sadd.s32 $0x88, s3;
	s6 =	simm.s32 @!p1 $0x1082;
	[sflag:s4] =	ssyncset.s32 $0xFFFFF086  }
0x25: {  	[simem:s6], [sflag:s4] =	dma.local [hbm:s3], $0xF7A  }
0x26: {  	[smem:$0x3F94] =	sst s1;
	(tag) =	ssettag s2;
	_ =	strace s9  }
0x27: {  	s1 =	sld [smem:$0x3FA4]  }
0x28: {  	s2 =	sld [smem:$0x3FA5]  }
0x29: {  	s4 =	sld [smem:$0x3FA7]  }
0x2a: {  	p0 =	seq.s32 s5, $0x0;
	s5 =	sld [smem:$0x3FA8]  }
0x2b: {  	s6 =	sld [smem:$0x3FA9]  }
0x2c: {  	s7 =	sld [smem:$0x3FAA]  }
0x2d: {  	s3 =	simm.s32 $0x108;
	s8 =	sld [smem:$0x3FAB]  }
0x2e: {  	s3 =	simm.s32 @!p0 $0x1082;
	s9 =	sld [smem:$0x3FAC]  }
0x2f: {  	lr =	sadd.s32 s0, s3;
	s0 =	sld [smem:$0x3FA3]  }
0x30: {  	s3 =	sld [smem:$0x3FA6]  }
0x31: {  	[smem:$0x3FAF] =	sst s10  }
0x32: {  	s10 =	sld [smem:$0x3FAD];
	_ =	sdelay $0x3  }
0x33: {  	p0 =	seq.s32 s10, $0x1;
	s10 =	sld [smem:$0x3FAF];
	_ =	sdelay $0x3  }
0x34: {  	[smem:$0x3FAF] =	sst s10  }
0x35: {  	s10 =	sld [smem:$0x3FAE];
	_ =	sdelay $0x3  }
0x36: {  	p1 =	seq.s32 s10, $0x1;
	s10 =	sld [smem:$0x3FAF];
	_ =	sdelay $0x3  }
0x37: {  	[smem:$0x3FAF] =	sst s10  }
0x38: {  	s10 =	sld [smem:$0x3FB0]  }
0x39: {  	_ = 	snop;
	(pc) =	sbr.ind lr, $3  }
0x3a: {  	_ = 	snop  }
0x3b: {  	_ = 	snop  }
0x3c: {  	p2 =	seq.s32 s10, $0x1;
	s10 =	sld [smem:$0x3FAF]  }
0x3d: {  	_ =	shalt  }
0x3e: {  	_ =	shalt  }
0x3f: {  	_ =	shalt  }
0x40: {  	_ =	shalt  }
0x41: {  	_ =	shalt  }
0x42: {  	_ =	shalt  }
0x43: {  	_ =	shalt  }
0x44: {  	_ =	shalt  }
0x45: {  	_ =	shalt  }
0x46: {  	_ =	shalt  }
0x47: {  	_ =	shalt  }
0x48: {  	_ =	shalt  }
0x49: {  	_ =	shalt  }
0x4a: {  	_ =	shalt  }
0x4b: {  	_ =	shalt  }
0x4c: {  	_ =	shalt  }
0x4d: {  	_ =	shalt  }
0x4e: {  	_ =	shalt  }
0x4f: {  	_ =	shalt  }
0x50: {  	_ =	shalt  }
0x51: {  	_ =	shalt  }
0x52: {  	_ =	shalt  }
0x53: {  	_ =	shalt  }
0x54: {  	_ =	shalt  }
0x55: {  	_ =	shalt  }
0x56: {  	_ =	shalt  }
0x57: {  	_ =	shalt  }
0x58: {  	_ =	shalt  }
0x59: {  	_ =	shalt  }
0x5a: {  	_ =	shalt  }
0x5b: {  	_ =	shalt  }
0x5c: {  	_ =	shalt  }
0x5d: {  	_ =	shalt  }
0x5e: {  	_ =	shalt  }
0x5f: {  	_ =	shalt  }
0x60: {  	_ =	shalt  }
0x61: {  	_ =	shalt  }
0x62: {  	_ =	shalt  }
0x63: {  	_ =	shalt  }
0x64: {  	_ =	shalt  }
0x65: {  	_ =	shalt  }
0x66: {  	_ =	shalt  }
0x67: {  	_ =	shalt  }
0x68: {  	_ =	shalt  }
0x69: {  	_ =	shalt  }
0x6a: {  	_ =	shalt  }
0x6b: {  	_ =	shalt  }
0x6c: {  	_ =	shalt  }
0x6d: {  	_ =	shalt  }
0x6e: {  	_ =	shalt  }
0x6f: {  	_ =	shalt  }
0x70: {  	_ =	shalt  }
0x71: {  	_ =	shalt  }
0x72: {  	_ =	shalt  }
0x73: {  	_ =	shalt  }
0x74: {  	_ =	shalt  }
0x75: {  	_ =	shalt  }
0x76: {  	_ =	shalt  }
0x77: {  	_ =	shalt  }
0x78: {  	_ =	shalt  }
0x79: {  	_ =	shalt  }
0x7a: {  	_ =	shalt  }
0x7b: {  	_ =	shalt  }
0x7c: {  	_ =	shalt  }
0x7d: {  	_ =	shalt  }
0x7e: {  	_ =	shalt  }
0x7f: {  	_ =	shalt  }
0x80: {  	_ =	shalt  }
0x81: {  	_ =	shalt  }
0x82: {  	_ =	shalt  }
0x83: {  	_ =	shalt  }
0x84: {  	_ =	shalt  }
0x85: {  	_ =	shalt  }
0x86: {  	_ =	shalt  }
0x87: {  	_ =	shalt  }
.Lfunc_end0:
.L_simem_size_0:
called_computation_lowered:
.L_overlay_start_0:
0x88: {  	s2 =	sld [smem:$0x3FD9]  }
0x89: {  	s3 =	sld [smem:$0x3FFE];
	_ =	sdelay $0x1  }
0x8a: {  	s1 =	srdreg.scid  }
0x8b: {  	s0 =	sand.u32 $0x1, s1  }
0x8c: {  	s16 =	sshll.u32 s0, $0xA;
	s2 =	sadd.s32 s3, s2  }
0x8d: {  	s2 =	sadd.s32 s2, s16  }
0x8e: {  	[smem:$0x3FBB] =	sst s2  }
0x8f: {  	_ = 	snop  }
0x90: {  	(tm) =	ssettm $0x1  }
0x91: {  	s17 =	sld [smem:$0x3FFB];
	_ =	sdelay $0x3  }
0x92: {  	_ =	strace s17  }
0x93: {  	s2 =	sld [smem:$0x3FFC];
	_ =	sdelay $0x3  }
0x94: {  	_ =	strace s2  }
0x95: {  	s2 =	sld [smem:$0x3FFD];
	_ =	sdelay $0x3  }
0x96: {  	_ =	strace s2  }
0x97: {  	_ =	strace $0x8FFFFFFF  }
0x98: {  	s18 =	sld [smem:$0x3FDB];
	_ =	sdelay $0x1  }
0x99: {  	s19 =	simm.s32 $_scs_section_size  }
0x9a: {  	s4 =	simm.s32 $_size__tile_overlayer_lowered;
	s5 =	simm.s32 $_tile_overlayer_lowered  }
0x9b: {  	s22 =	simm.s32 $0x1BFF;
	s21 =	sshll.u32 s5, $0x1;
	s2 =	sadd.s32 s19, s18  }
0x9c: {  	s6 =	simm.s32 $0x0;
	s20 =	sshll.u32 s4, $0x1;
	s4 =	sadd.s32 s21, s2  }
0x9d: {  	[timem:s6], [sflag:s22] =	dma.local [hbm:s4], s20  }
0x9e: {  	_ =	swait.ge [sflag:s22], s20  }
0x9f: {  	s3 =	ssub.s32 $0x0, s20;
	[sflag:s22] =	ssyncset.done $0x0  }
0xa0: {  	[sflag:s22] =	ssyncadd.s32 s3;
	_ =	sdelay $0x1  }
0xa1: {  	s23 =	simm.s32 $0x1B8B  }
0xa2: {  	_ =	swait.ge [sflag:s23], $0x1  }
0xa3: {  	[sflag:s23] =	ssyncset.done $0x0  }
0xa4: {  	s25 =	simm.s32 $0x1B8E;
	s24 =	sld [smem:$0x3FFE];
	[sflag:s23] =	ssyncadd.s32 $0xFFFFFFFF  }
0xa5: {  	s26 =	simm.s32 $execute0_lowered;
	[smem:$0x3FD2] =	sst s25  }
0xa6: {  	s4 =	sshll.u32 s26, $0x1;
	_ =	strace $0x80000046;
	[dreg:$0x1] =	wrdreg $0xFFFFFFFF  }
0xa7: {  	s28 =	simm.s32 $_size_execute0_lowered;
	s2 =	sadd.s32 s2, s4;
	[dreg:$0x0] =	wrdreg $0x0  }
0xa8: {  	s4 =	sshll.u32 s28, $0x1;
	[dreg:$0x2] =	wrdreg s2  }
0xa9: {  	[dreg:$0x3] =	wrdreg s4  }
0xaa: {  	[dreg:$0x4] =	wrdreg $0xC0  }
0xab: {  	_ =	task [dreg:s6], $0x5FFFF  }
0xac: {  	[dreg:$0x1] =	wrdreg $0xFFFFFFFF  }
0xad: {  	[dreg:$0x0] =	wrdreg $0x60  }
0xae: {  	[dreg:$0x2] =	wrdreg s24  }
0xaf: {  	[dreg:$0x3] =	wrdreg $0x120000  }
0xb0: {  	[dreg:$0x4] =	wrdreg $0x9  }
0xb1: {  	_ =	task.clear_ibuf [dreg:s6], $0x5FFFF;
	_ =	strace $0x90000046  }
0xb2: {  	s29 =	simm.s32 $0x9;
	_ =	strace $0x80000048  }
0xb3: {  	_ =	swait.ge [sflag:s29], $0x1  }
0xb4: {  	[sflag:s29] =	ssyncadd.s32 $0xFFFFFFFF  }
0xb5: {  	_ =	strace $0x90000048  }
0xb6: {  	_ =	sfence  }
0xb7: {  	s30 =	sld [smem:$0x0];
	_ =	sdelay $0x2  }
0xb8: {  	s31 =	sshll.u32 s1, $0xD;
	s1 =	sshrl.u32 s1, $0x2  }
0xb9: {  	s3 =	sand.u32 $0x4000, s31;
	s1 =	sadd.s32 s1, s30  }
0xba: {  	s0 =	sor.u32 s3, s0;
	s1 =	sshll.u32 s1, $0x11  }
0xbb: {  	s0 =	sor.u32 s1, s0  }
0xbc: {  	s0 =	sadd.s32 $0x8F2B, s0  }
0xbd: {  	[sflag:s0] =	ssyncadd.remote.s32 $0x1  }
0xbe: {  	_ =	sfence.sel $0xFFFF  }
0xbf: {  	[dreg:$0x0] =	wrdreg $0xFFFFFFFF;
	(pc) =	sbr.abs _section_cstart, $3  }
0xc0: {  	[dreg:$0x1] =	wrdreg $0xFFFFFFFF  }
0xc1: {  	_ =	task.clear_ibuf [dreg:s6], $0x2FFFF;
	_ =	strace $0x9FFFFFFF  }
0xc2: {  	(tm) =	ssettm $0x7FFFFFFF  }
0xc3: {  	_ =	shalt  }
tec
execute0_lowered:
.L_overlay_start_1:
0x0: {  	(tag) =	ssettag $0x1  }
0x1: {  	s4 =	rddreg [dreg:$0x0]  }
0x2: {  	s5 =	rddreg [dreg:$0x1]  }
0x3: {  	s0 =	rddreg [dreg:$0x2]  }
0x4: {  	s1 =	stileid.u32;
	s2 =	simm.s32 $0x0;
	s3 =	srdreg.scid  }
0x5: {  	s14 =	simm.s32 $0xA000;
	s17 =	simm.s32 $0x0;
	s6 =	smul.u32 $0xA00, s1  }
0x6: {  	[smem:$0x7FF] =	sst s2;
	s7 =	smul.u32 $0xA000, s1;
	s8 =	sand.u32 $0x1, s3  }
0x7: {  	s3 =	sadd.s32 $0xDEE00, s4;
	s11 =	smul.u32 $0x28000, s1;
	s31 =	sshll.u32 s1, $0x6  }
0x8: {  	_ =	strace $0x80000047;
	s9 =	smul.u32 $0xA0000, s8;
	s29 =	ssub.s32 $0x2, s8  }
0x9: {  	s15 =	smul.u32 $0x1400, s8;
	s10 =	sadd.s32 s6, s4;
	s28 =	sshrl.u32 s7, $0x3  }
0xa: {  	s12 =	sshrl.u32 s29, $0x1;
	s30 =	sshrl.u32 s11, $0x2;
	s7 =	sadd.s32 s7, s9  }
0xb: {  	s6 =	sadd.s32 s28, s4;
	s9 =	ssub.s32 s29, s12;
	s11 =	sadd.s32 s30, s5  }
0xc: {  	s5 =	sor.u32 $0x1C02, s31;
	s16 =	sadd.s32 $0x1400, s15;
	s12 =	simm.s32 $0x5000  }
0xd: {  	v0 =	vmov s15;
	s15 =	simm.s32 $0xE000;
	s7 =	sshrl.u32 s7, $0x3;
	s9 =	smax.u32 s9, $0x1  }
0xe: {  	v1 =	vmov s16;
	s16 =	simm.s32 $0x1;
	s13 =	sadd.s32 s7, s4;
	s4 =	sadd.s32 $0x106E00, s6  }
0xf: {  	s6 =	sadd.s32 $0xCAE00, s10;
	s7 =	sadd.s32 $0xD4E00, s10;
	s10 =	sshrl.u32 s11, $0x3  }
0x10: {  	s11 =	simm.s32 $0x2;
	s8 =	sadd.s32 $0x11AE00, s13;
	s13 =	simm.s32 $0x80  }
.LBB2_1:
0x11: {  	[spmem:s10], [sflag:s5] =	dma.local [hbm:s4], $0x1400  }
0x12: {  	_ =	swait.ge [sflag:s11], $0x1400  }
0x13: {  	[sflag:s11] =	ssyncset.done $0x0  }
0x14: {  	[sflag:s11] =	ssyncadd.s32 $0xFFFFEC00  }
0x15: {  	[tilespmem:s2], [sflag:$0x2] =	stream.linear.gather [hbm4b:s6+s2], $0x5000, $0x38;
	[tilespmem:$0x1C000] =	vst v63  }
0x16: {  	_ =	swait.ge [sflag:s11], $0x5000  }
0x17: {  	[sflag:s11] =	ssyncset.done $0x0  }
0x18: {  	[sflag:s11] =	ssyncadd.s32 $0xFFFFB000  }
0x19: {  	[tilespmem:s12], [sflag:$0x2] =	stream.linear.gather [hbm4b:s7+s2], $0x5000, $0x38;
	[tilespmem:$0x1C000] =	vst v63  }
0x1a: {  	_ =	swait.ge [sflag:s11], $0x5000  }
0x1b: {  	[sflag:s11] =	ssyncset.done $0x0  }
0x1c: {  	s18 =	simm.s32 $0x0;
	[sflag:s11] =	ssyncadd.s32 $0xFFFFB000  }
0x1d: {  	v4 =	vld [tilespmem:s18+$0x5070]  }
0x1e: {  	v2 =	vld [tilespmem:s18+$0x5030]  }
0x1f: {  	v6 =	vld [tilespmem:s18+$0x5040]  }
0x20: {  	v5 =	vld [tilespmem:s18+$0x5020]  }
0x21: {  	v8 =	vld [tilespmem:s18+$0x30]  }
0x22: {  	v14 =	vld [tilespmem:s18+$0x70]  }
0x23: {  	v12 =	vld [tilespmem:s18+$0x40];
	vm2 =	vge.s32 v2, v0  }
0x24: {  	v3 =	vld [tilespmem:s18+$0x5000];
	vm3 =	vlt.s32 v2, v1;
	v11 =	vsub.s32 v2, v0;
	vm1 =	vlt.s32 v6, v1  }
0x25: {  	v9 =	vld [tilespmem:s18+$0x5060];
	v10 =	vsub.s32 v6, v0;
	vm0 =	vlt.s32 v5, v1;
	vm4 =	vge.s32 v6, v0  }
0x26: {  	v6 =	vld [tilespmem:s18+$0x60];
	vm5 =	vlt.s32 v4, v1;
	vm1 =	vmand vm4, vm1;
	vm4 =	vge.s32 v4, v0  }
0x27: {  	v7 =	vsub.s32 v5, v0;
	v2 =	vld [tilespmem:s18+$0x0];
	v13 =	vsub.s32 v4, v0;
	vm4 =	vmand vm4, vm5  }
0x28: {  	s19 =	simm.s32 $0x200;
	v4 =	vld [tilespmem:s18+$0x5010];
	vm3 =	vmand vm2, vm3;
	v13 =	vnsel vm4, $0x0, v13;
	v14 =	vnsel vm4, $0x2720, v14  }
.LBB2_2:
0x29: {  	s20 =	sshra.s32 s19, $0x2;
	p0 =	sne.s32 s19, $0x13E00;
	s19 =	sadd.s32 $0x200, s19;
	vm2 =	vlt.s32 v3, v1;
	v8 =	vnsel vm3, $0x2720, v8;
	v12 =	vnsel vm1, $0x2720, v12;
	v15 =	vld [tilespmem:s18+$0x5050];
	[tilespmem:s18+$0x70] =	vst v14  }
0x2a: {  	vm4 =	vge.s32 v5, v0;
	v5 =	vnsel vm3, $0x0, v11;
	v14 =	vld [tilespmem:s18+$0x20];
	vm3 =	vge.s32 v9, v0;
	[tilespmem:s18+$0x5070] =	vst v13  }
0x2b: {  	vm0 =	vmand vm4, vm0;
	v11 =	vld [tilespmem:s18+$0x10];
	[tilespmem:s18+$0x30] =	vst v8;
	v8 =	vnsel vm1, $0x0, v10;
	vm1 =	vlt.s32 v9, v1  }
0x2c: {  	v10 =	vsub.s32 v3, v0;
	v9 =	vsub.s32 v9, v0;
	[tilespmem:s18+$0x40] =	vst v12;
	v13 =	vld [tilespmem:s18+$0x50];
	vm1 =	vmand vm3, vm1  }
0x2d: {  	vm3 =	vge.s32 v3, v0;
	v16 =	vld [tilespmem:s20+$0x5070];
	[tilespmem:s18+$0x5030] =	vst v5;
	v3 =	vnsel vm1, $0x0, v9;
	v6 =	vnsel vm1, $0x2720, v6  }
0x2e: {  	v5 =	vnsel vm0, $0x0, v7;
	v9 =	vld [tilespmem:s20+$0x5030];
	[tilespmem:s18+$0x5040] =	vst v8;
	vm1 =	vge.s32 v15, v0;
	vm4 =	vlt.s32 v15, v1  }
0x2f: {  	vm5 =	vge.s32 v4, v0;
	vm6 =	vlt.s32 v4, v1;
	v15 =	vsub.s32 v15, v0;
	v17 =	vld [tilespmem:s20+$0x5040];
	[tilespmem:s18+$0x5020] =	vst v5  }
0x30: {  	vm2 =	vmand vm3, vm2;
	v4 =	vsub.s32 v4, v0;
	vm3 =	vmand vm5, vm6;
	v5 =	vld [tilespmem:s20+$0x5020];
	[tilespmem:s18+$0x5060] =	vst v3  }
0x31: {  	v4 =	vnsel vm3, $0x0, v4;
	v18 =	vnsel vm3, $0x2720, v11;
	v3 =	vnsel vm0, $0x2720, v14;
	v8 =	vld [tilespmem:s20+$0x30];
	[tilespmem:s18+$0x60] =	vst v6  }
0x32: {  	v2 =	vnsel vm2, $0x2720, v2;
	v6 =	vnsel vm2, $0x0, v10;
	vm2 =	vmand vm1, vm4;
	v14 =	vld [tilespmem:s20+$0x70];
	[tilespmem:s18+$0x20] =	vst v3  }
0x33: {  	vm3 =	vge.s32 v9, v0;
	vm4 =	vlt.s32 v9, v1;
	v11 =	vsub.s32 v9, v0;
	v12 =	vld [tilespmem:s20+$0x40];
	[tilespmem:s18+$0x5000] =	vst v6  }
.Ltmp0:
0x34: {  	v3 =	vld [tilespmem:s20+$0x5000];
	vm1 =	vlt.s32 v17, v1;
	v10 =	vsub.s32 v17, v0;
	[tilespmem:s18+$0x0] =	vst v2;
	v2 =	vnsel vm2, $0x2720, v13;
	(pc) =	sbr.rel @p0 .LBB2_2-.Ltmp0, $4  }
0x35: {  	vm5 =	vge.s32 v17, v0;
	vm0 =	vlt.s32 v5, v1;
	v7 =	vsub.s32 v5, v0;
	v9 =	vld [tilespmem:s20+$0x5060];
	[tilespmem:s18+$0x50] =	vst v2  }
0x36: {  	vm6 =	vlt.s32 v16, v1;
	vm1 =	vmand vm5, vm1;
	vm5 =	vge.s32 v16, v0;
	v6 =	vld [tilespmem:s20+$0x60];
	[tilespmem:s18+$0x10] =	vst v18  }
0x37: {  	v15 =	vnsel vm2, $0x0, v15;
	v13 =	vsub.s32 v16, v0;
	vm5 =	vmand vm5, vm6;
	v2 =	vld [tilespmem:s20+$0x0];
	[tilespmem:s18+$0x5010] =	vst v4  }
0x38: {  	vm3 =	vmand vm3, vm4;
	v13 =	vnsel vm5, $0x0, v13;
	v14 =	vnsel vm5, $0x2720, v14;
	v4 =	vld [tilespmem:s20+$0x5010];
	[tilespmem:s18+$0x5050] =	vst v15;
	s18 =	smov.u32 s20  }
0x39: {  	[tilespmem:s18+$0x70] =	vst v14  }
0x3a: {  	[tilespmem:s18+$0x5070] =	vst v13;
	v8 =	vnsel vm3, $0x2720, v8  }
0x3b: {  	v12 =	vnsel vm1, $0x2720, v12;
	[tilespmem:s18+$0x30] =	vst v8  }
0x3c: {  	vm2 =	vge.s32 v5, v0;
	v58 =	vnsel vm3, $0x0, v11;
	v10 =	vnsel vm1, $0x0, v10;
	[tilespmem:s18+$0x40] =	vst v12  }
0x3d: {  	v15 =	vld [tilespmem:s18+$0x5050];
	vm8 =	vge.s32 v9, v0;
	vm0 =	vmand vm2, vm0;
	vm9 =	vlt.s32 v9, v1;
	[tilespmem:s18+$0x5030] =	vst v58  }
0x3e: {  	v56 =	vld [tilespmem:s18+$0x20];
	v60 =	vsub.s32 v9, v0;
	[tilespmem:s18+$0x5040] =	vst v10;
	vm1 =	vmand vm8, vm9;
	v7 =	vnsel vm0, $0x0, v7  }
0x3f: {  	v57 =	vld [tilespmem:s18+$0x10];
	vm10 =	vlt.s32 v3, v1;
	vm11 =	vge.s32 v3, v0;
	v5 =	vnsel vm1, $0x0, v60;
	[tilespmem:s18+$0x5020] =	vst v7  }
0x40: {  	v59 =	vld [tilespmem:s18+$0x50];
	v61 =	vsub.s32 v3, v0;
	vm2 =	vmand vm11, vm10;
	v3 =	vnsel vm1, $0x2720, v6;
	[tilespmem:s18+$0x5060] =	vst v5  }
0x41: {  	v2 =	vnsel vm2, $0x2720, v2;
	[tilespmem:s18+$0x60] =	vst v3;
	vm14 =	vge.s32 v4, v0  }
0x42: {  	v3 =	vnsel vm2, $0x0, v61;
	vm4 =	vlt.s32 v4, v1;
	[tilespmem:s18+$0x0] =	vst v2;
	vm12 =	vge.s32 v15, v0  }
0x43: {  	v62 =	vnsel vm0, $0x2720, v56;
	vm13 =	vlt.s32 v15, v1;
	[tilespmem:s18+$0x5000] =	vst v3;
	vm15 =	vmand vm14, vm4  }
0x44: {  	[tilespmem:s18+$0x20] =	vst v62;
	vm0 =	vmand vm12, vm13;
	v63 =	vnsel vm15, $0x2720, v57  }
0x45: {  	v3 =	vsub.s32 v4, v0;
	v2 =	vnsel vm0, $0x2720, v59;
	[tilespmem:s18+$0x10] =	vst v63  }
0x46: {  	v3 =	vnsel vm15, $0x0, v3;
	[tilespmem:s18+$0x50] =	vst v2;
	v2 =	vsub.s32 v15, v0  }
0x47: {  	[tilespmem:s18+$0x5010] =	vst v3;
	v2 =	vnsel vm0, $0x0, v2  }
0x48: {  	[tilespmem:s18+$0x5050] =	vst v2  }
0x49: {  	s30 =	simm.s32 $0x0;
	[bflag:$0x0] =	sbarrier.arrive $0xFFFF  }
0x4a: {  	[tilespmem:s14], [sflag:$0x1] =	stream.indirect.gather [hbm4b:s3+s13], $0x80, s30, s13, $0xb8;
	[tilespmem:$0x1C000] =	vst v63  }
0x4b: {  	s31 =	simm.s32 $0x80  }
0x4c: {  	[tilespmem:s15], [sflag:$0x1] =	stream.indirect.gather [hbm4b:s3+s13], $0x80, s31, s13, $0xb8;
	[tilespmem:$0x1C000] =	vst v63  }
0x4d: {  	_ =	swait.ge [sflag:s16], $0x4000  }
0x4e: {  	[sflag:s16] =	ssyncset.done $0x0  }
0x4f: {  	[sflag:s16] =	ssyncadd.s32 $0xFFFFC000  }
0x50: {  	_ =	swait.ge [sflag:s16], $0x4000  }
0x51: {  	s19 =	simm.s32 $0x800;
	s18 =	simm.s32 $0x400;
	[sflag:s16] =	ssyncset.done $0x0  }
.LBB2_4:
0x52: {  	s20 =	sshra.s32 s18, $0x2  }
0x53: {  	[sflag:s16] =	ssyncadd.s32 $0xFFFFC000;
	s18 =	smov.u32 s19;
	s21 =	sadd.s32 $0x400, s19  }
0x54: {  	[tilespmem:s14], [sflag:$0x1] =	stream.indirect.gather [hbm4b:s3+s13], $0x80, s20, s13, $0xb8;
	[tilespmem:$0x1C000] =	vst v63  }
0x55: {  	p0 =	sne.s32 s19, $0x13C00;
	s19 =	sadd.s32 $0x80, s20  }
0x56: {  	[tilespmem:s15], [sflag:$0x1] =	stream.indirect.gather [hbm4b:s3+s13], $0x80, s19, s13, $0xb8;
	[tilespmem:$0x1C000] =	vst v63  }
.Ltmp1:
0x57: {  	_ =	swait.ge [sflag:s16], $0x4000;
	(pc) =	sbr.rel @p0 .LBB2_4-.Ltmp1, $4  }
0x58: {  	[sflag:s16] =	ssyncset.done $0x0  }
0x59: {  	[sflag:s16] =	ssyncadd.s32 $0xFFFFC000  }
0x5a: {  	_ =	swait.ge [sflag:s16], $0x4000  }
0x5b: {  	s19 =	smov.u32 s21;
	[sflag:s16] =	ssyncset.done $0x0  }
0x5c: {  	s18 =	sshra.s32 s18, $0x2;
	[sflag:s16] =	ssyncadd.s32 $0xFFFFC000  }
0x5d: {  	[tilespmem:s14], [sflag:$0x1] =	stream.indirect.gather [hbm4b:s3+s13], $0x80, s18, s13, $0xb8;
	[tilespmem:$0x1C000] =	vst v63  }
0x5e: {  	s18 =	sadd.s32 $0x80, s18  }
0x5f: {  	[tilespmem:s15], [sflag:$0x1] =	stream.indirect.gather [hbm4b:s3+s13], $0x80, s18, s13, $0xb8;
	[tilespmem:$0x1C000] =	vst v63  }
0x60: {  	_ =	swait.ge [sflag:s16], $0x4000  }
0x61: {  	[sflag:s16] =	ssyncset.done $0x0  }
0x62: {  	[sflag:s16] =	ssyncadd.s32 $0xFFFFC000  }
0x63: {  	_ =	swait.ge [sflag:s16], $0x4000  }
0x64: {  	s17 =	sadd.s32 $0x1, s17;
	[sflag:s16] =	ssyncset.done $0x0  }
0x65: {  	p0 =	sne.s32 s17, s9;
	[sflag:s16] =	ssyncadd.s32 $0xFFFFC000  }
.Ltmp2:
0x66: {  	[bflag:$0x0] =	sbarrier.arrive $0xFFFF;
	(pc) =	sbr.rel @p0 .LBB2_1-.Ltmp2, $4  }
0x67: {  	[hbm:s8], [sflag:s5] =	dma.local [spmem:s10], $0x1400  }
0x68: {  	_ =	swait.ge [sflag:s11], $0x1400  }
0x69: {  	[sflag:s11] =	ssyncset.done $0x0  }
0x6a: {  	[sflag:s11] =	ssyncadd.s32 $0xFFFFEC00  }
0x6b: {  	_ =	sfence.sel $0x180000  }
0x6c: {  	[bflag:$0x0] =	sbarrier.arrive $0xFFFF  }
0x6d: {  	p0 =	sne.s32 s1, $0x0;
	_ =	strace $0x90000047  }
0x6e: {  	s0 =	sadd.s32 @!p0 $0x100000, s0;
	[bflag:$0x2] =	sbarrier.arrive $0xFFFF  }
0x6f: {  	[sflag:s0] =	ssyncadd.tile.s32 @!p0 $0x1;
	_ =	shalt  }
.Lfunc_end2:
_tile_overlayer_lowered:
.L_overlay_start_2:
0x70: {  	(tag) =	ssettag $0x2  }
0x71: {  	s0 =	rddreg [dreg:$0x0];
	s2 =	stileid.u32  }
0x72: {  	s1 =	rddreg [dreg:$0x1];
	p0 =	sne.s32 s2, $0x0  }
0x73: {  	s3 =	rddreg [dreg:$0x2];
	[bflag:$0x3] =	sbarrier.arrive $0xFFFF;
	s2 =	simm.s32 @!p0 $0x1C02  }
0x74: {  	[timem:s3], [sflag:s2] =	dma.local @!p0 [hbm:s0], s1  }
0x75: {  	s0 =	simm.s32 @!p0 $0x2  }
0x76: {  	_ =	swait.ge @!p0 [sflag:s0], s1  }
0x77: {  	s1 =	ssub.s32 @!p0 $0x0, s1;
	[sflag:s0] =	ssyncset.done @!p0 $0x0  }
0x78: {  	[sflag:s0] =	ssyncadd.s32 @!p0 s1  }
0x79: {  	[bflag:$0x3] =	sbarrier.arrive $0xFFFF  }
0x7a: {  	_ =	shalt  }

</sc_bundles>
